<compile_context>
chip_gen: v7x
topology: tpu7x:2x2x1
jax: 0.10.2.dev20260603
libtpu: 0.0.44.dev20260713+nightly
codegen_flags: <defaults>
</compile_context>

<pallas_src>
import functools

import jax
import jax.numpy as jnp
from jax.experimental import pallas as pl
from jax.experimental.pallas import tpu as pltpu
from jax.experimental.pallas import tpu_sc as plsc

_HIGH = jax.lax.Precision.HIGHEST


def _pick_div(n, target):
    best = 1
    for d in range(1, target + 1):
        if n % d == 0:
            best = d
    return best


def _prep_body(y_ref, fy_ref, w1a_ref, w1b_ref, b1_ref, af_ref, b_ref):
    y = y_ref[...]
    a = jax.lax.dot_general(y, w1a_ref[...], (((1,), (0,)), ((), ())),
                            preferred_element_type=jnp.float32,
                            precision=_HIGH)
    af_ref[...] = jnp.concatenate([a, fy_ref[...]], axis=-1)
    b = jax.lax.dot_general(y, w1b_ref[...], (((1,), (0,)), ((), ())),
                            preferred_element_type=jnp.float32,
                            precision=_HIGH) + b1_ref[...]
    pad = b_ref.shape[1] - b.shape[1]
    b_ref[...] = jnp.concatenate(
        [b, jnp.zeros((b.shape[0], pad), jnp.float32)], axis=-1)


def _prep(y, f_y, w1a, w1b, b1):
    n, dc = y.shape
    d = f_y.shape[1]
    h = w1a.shape[1]
    bn = _pick_div(n, 1000)
    return pl.pallas_call(
        _prep_body,
        grid=(n // bn,),
        in_specs=[
            pl.BlockSpec((bn, dc), lambda i: (i, 0)),
            pl.BlockSpec((bn, d), lambda i: (i, 0)),
            pl.BlockSpec((dc, h), lambda i: (0, 0)),
            pl.BlockSpec((dc, h), lambda i: (0, 0)),
            pl.BlockSpec((1, h), lambda i: (0, 0)),
        ],
        out_specs=[
            pl.BlockSpec((bn, h + d), lambda i: (i, 0)),
            pl.BlockSpec((bn, 128), lambda i: (i, 0)),
        ],
        out_shape=[
            jax.ShapeDtypeStruct((n, h + d), jnp.float32),
            jax.ShapeDtypeStruct((n, 128), jnp.float32),
        ],
    )(y, f_y, w1a, w1b, b1)


def _sc_gather(table, idx, chunk=960, trim=True):
    orig = idx.shape[0]
    d = table.shape[1]
    info = plsc.get_sparse_core_info()
    nw = info.num_cores * info.num_subcores
    per_w = -(-orig // (nw * chunk)) * chunk
    tot = per_w * nw
    if tot != orig:
        idx = jnp.concatenate(
            [idx, jnp.zeros((tot - orig,), idx.dtype)])
    niter = per_w // chunk
    mesh = plsc.VectorSubcoreMesh(core_axis_name="c", subcore_axis_name="s")

    @functools.partial(
        pl.kernel,
        out_type=jax.ShapeDtypeStruct((tot, d), table.dtype),
        mesh=mesh,
        scratch_types=[
            pltpu.VMEM((chunk,), jnp.int32),
            pltpu.VMEM((chunk, d), table.dtype),
            pltpu.SemaphoreType.DMA,
        ],
    )
    def gather_kernel(x_hbm, i_hbm, o_hbm, idx_v, rows_v, sem):
        wid = (jax.lax.axis_index("s") * info.num_cores
               + jax.lax.axis_index("c"))
        base0 = wid * per_w

        @pl.loop(0, niter)
        def _(j):
            base = base0 + j * chunk
            pltpu.sync_copy(i_hbm.at[pl.ds(base, chunk)], idx_v)
            pltpu.async_copy(x_hbm.at[idx_v], rows_v, sem).wait()
            pltpu.sync_copy(rows_v, o_hbm.at[pl.ds(base, chunk)])

    out = gather_kernel(table, idx)
    if trim and tot != orig:
        return out[:orig]
    return out


def _edge_body(nc, nt, h_dim, d, g_ref, g2_ref, w2_ref, b2_ref, p_ref,
               carry_ref):
    @pl.when(pl.program_id(0) == 0)
    def _():
        carry_ref[...] = jnp.zeros_like(carry_ref)

    g = g_ref[...]
    a = g[:, :h_dim]
    f = g[:, h_dim:]
    x = a + g2_ref[:, :h_dim]
    hh = x * 0.5 * (1.0 + jax.lax.erf(x * 0.7071067811865476))
    k = jax.lax.dot_general(hh, w2_ref[...], (((1,), (0,)), ((), ())),
                            preferred_element_type=jnp.float32,
                            precision=_HIGH) + b2_ref[...]
    r = k * f

    r3 = r.reshape(nc, nt, d)
    it = jax.lax.broadcasted_iota(jnp.int32, (nt, nt), 0)
    jt = jax.lax.broadcasted_iota(jnp.int32, (nt, nt), 1)
    tri = (it >= jt).astype(jnp.float32)
    ic = jax.lax.broadcasted_iota(jnp.int32, (nc, nc), 0)
    jc = jax.lax.broadcasted_iota(jnp.int32, (nc, nc), 1)
    tris = (ic > jc).astype(jnp.float32)

    tri_b = jnp.broadcast_to(tri, (nc, nt, nt))
    cum = jax.lax.dot_general(tri_b, r3, (((2,), (1,)), ((0,), (0,))),
                              preferred_element_type=jnp.float32,
                              precision=_HIGH)
    tot = jnp.sum(r3, axis=1)
    pre = jax.lax.dot_general(tris, tot, (((1,), (0,)), ((), ())),
                              preferred_element_type=jnp.float32,
                              precision=_HIGH)
    p = cum + pre[:, None, :] + carry_ref[...][None, :, :]
    p2 = p.reshape(nc * nt, d)
    p_ref[...] = jnp.concatenate(
        [p2, jnp.zeros((nc * nt, p_ref.shape[1] - d), jnp.float32)], axis=-1)
    carry_ref[...] = p2[nc * nt - 1:nc * nt, :]


def _edge_stage(g, g2, w2, b2):
    e = g.shape[0]
    h = w2.shape[0]
    d = g.shape[1] - h
    bl = _pick_div(e, 1600)
    nt = _pick_div(bl, 40)
    nc = bl // nt
    body = functools.partial(_edge_body, nc, nt, h, d)
    return pl.pallas_call(
        body,
        grid=(e // bl,),
        in_specs=[
            pl.BlockSpec((bl, h + d), lambda i: (i, 0)),
            pl.BlockSpec((bl, 128), lambda i: (i, 0)),
            pl.BlockSpec((h, d), lambda i: (0, 0)),
            pl.BlockSpec((1, d), lambda i: (0, 0)),
        ],
        out_specs=pl.BlockSpec((bl, 128), lambda i: (i, 0)),
        out_shape=jax.ShapeDtypeStruct((e, 128), jnp.float32),
        scratch_shapes=[pltpu.VMEM((1, d), jnp.float32)],
    )(g, g2, w2, b2)


def _combine_body(d, hi_ref, lo_ref, shi_ref, slo_ref, o_ref):
    o_ref[...] = (hi_ref[:, :d] * shi_ref[...]
                  - lo_ref[:, :d] * slo_ref[...])


def _combine(hi_g, lo_g, s_hi, s_lo, d):
    n = hi_g.shape[0]
    w = hi_g.shape[1]
    bn = _pick_div(n, 1000)
    return pl.pallas_call(
        functools.partial(_combine_body, d),
        grid=(n // bn,),
        in_specs=[
            pl.BlockSpec((bn, w), lambda i: (i, 0)),
            pl.BlockSpec((bn, w), lambda i: (i, 0)),
            pl.BlockSpec((bn, 1), lambda i: (i, 0)),
            pl.BlockSpec((bn, 1), lambda i: (i, 0)),
        ],
        out_specs=pl.BlockSpec((bn, d), lambda i: (i, 0)),
        out_shape=jax.ShapeDtypeStruct((n, d), jnp.float32),
    )(hi_g, lo_g, s_hi, s_lo)


def kernel(y, neighbors_index, neighbors_row_splits, f_y, W1, b1, W2, b2):
    n, dc = y.shape
    e = neighbors_index.shape[0]
    d = f_y.shape[1]
    h = W1.shape[1]

    rs = neighbors_row_splits.astype(jnp.int32)
    nbr = neighbors_index.astype(jnp.int32)

    z = jnp.zeros((e,), jnp.int32).at[rs[1:-1]].add(1)
    seg = jnp.cumsum(z)

    w1a = W1[:dc]
    w1b = W1[dc:]
    b1r = b1.reshape(1, h)
    b2r = b2.reshape(1, d)

    af, b_tab = _prep(y, f_y, w1a, w1b, b1r)

    g = _sc_gather(af, nbr, trim=False)
    g2 = _sc_gather(b_tab, seg, trim=False)

    p = _edge_stage(g, g2, W2, b2r)

    lo = jnp.maximum(rs[:-1] - 1, 0)
    hi = jnp.maximum(rs[1:] - 1, 0)
    bidx = jnp.concatenate([lo, hi]).astype(jnp.int32)
    pg = _sc_gather(p, bidx)
    lo_g = pg[:n]
    hi_g = pg[n:]

    cnt = rs[1:] - rs[:-1]
    inv = 1.0 / jnp.maximum(cnt, 1).astype(jnp.float32)
    s_lo = ((rs[:-1] > 0).astype(jnp.float32) * inv).reshape(n, 1)
    s_hi = ((rs[1:] > 0).astype(jnp.float32) * inv).reshape(n, 1)

    return _combine(hi_g, lo_g, s_hi, s_lo, d)

# --- scband reference (transcript-rebuilt; emitter-appended) ---
"""Pipeline reference for scband-integral-transform-4990751998525 (READ-ONLY COPY).

The authoritative reference and input builder live on the scoring server;
editing this copy changes nothing except your own understanding.
"""

import jax, jax.numpy as jnp
import numpy as np

N = 50000
E = 800000
D_COORD = 3
D_F = 64
H = 64

def setup_inputs(seed: int = 0) -> dict:
    key = jax.random.key(seed)
    k1, k2, k3, k4, k5, k6 = jax.random.split(key, 6)
    y = jax.random.normal(k1, (N, D_COORD), dtype=jnp.float32)
    neighbors_index = jax.random.randint(k2, (E,), 0, N)
    rs = jnp.sort(jax.random.randint(k3, (N + 1,), 0, E + 1))
    # CRS row splits must start at 0 and end at E
    rs = rs.at[0].set(0).at[-1].set(E)
    f_y = jax.random.normal(k4, (N, D_F), dtype=jnp.float32)
    # LinearChannelMLP params for layers [6, 64, 64]
    W1 = jax.random.normal(k5, (2 * D_COORD, H), dtype=jnp.float32) * (1.0 / np.sqrt(2 * D_COORD))
    b1 = jnp.zeros((H,), dtype=jnp.float32)
    W2 = jax.random.normal(k6, (H, D_F), dtype=jnp.float32) * (1.0 / np.sqrt(H))
    b2 = jnp.zeros((D_F,), dtype=jnp.float32)
    return {"y": y, "neighbors_index": neighbors_index, "neighbors_row_splits": rs,
            "f_y": f_y, "W1": W1, "b1": b1, "W2": W2, "b2": b2}

def reference(y, neighbors_index, neighbors_row_splits, f_y, W1, b1, W2, b2):
    E_ = neighbors_index.shape[0]
    N_ = y.shape[0]
    num_reps = neighbors_row_splits[1:] - neighbors_row_splits[:-1]
    # x = y (not specified)
    rep_features = jnp.take(y, neighbors_index, axis=0)            # gather y[nbr]
    in_features = jnp.take(f_y, neighbors_index, axis=0)           # gather f(y)[nbr]
    self_features = jnp.repeat(y, num_reps, axis=0, total_repeat_length=E_)
    agg_features = jnp.concatenate([rep_features, self_features], axis=-1)  # [E, 6]
    # LinearChannelMLP: Linear(6,64) -> gelu -> Linear(64,64)
    h = jax.nn.gelu(agg_features @ W1 + b1, approximate=False)
    kernel = h @ W2 + b2                                           # [E, 64]
    # transform_type == 'linear': k(x,y) * f(y)
    rep = kernel * in_features
    # segment_csr with reduce='mean' (weights is None)
    seg_ids = jnp.repeat(jnp.arange(N_), num_reps, total_repeat_length=E_)
    sums = jax.ops.segment_sum(rep, seg_ids, num_segments=N_)
    counts = jnp.maximum(num_reps, 1).astype(rep.dtype)
    out_features = sums / counts[:, None]
    return out_features

if __name__ == "__main__":
    import jax
    _d = setup_inputs()
    print(jax.jit(kernel)(*tuple(_d.values())))

</pallas_src>

<mosaic_0001>
#map = affine_map<(d0, d1) -> (0, 0)>
#map1 = affine_map<(d0, d1) -> (0)>
module attributes {stable_mosaic.version = 14 : i64} {
  func.func @gather_kernel(%arg0: i32, %arg1: i32, %arg2: memref<829440x128xf32, #tpu.memory_space<hbm>>, %arg3: memref<122880xi32, #tpu.memory_space<hbm>>, %arg4: memref<122880x128xf32, #tpu.memory_space<hbm>>, %arg5: memref<960xi32, #tpu.memory_space<vmem>>, %arg6: memref<960x128xf32, #tpu.memory_space<vmem>>, %arg7: memref<!tpu.dma_semaphore, #tpu.memory_space<semaphore_mem>>) attributes {dimension_semantics = [#tpu.dimension_semantics<core_parallel>, #tpu.dimension_semantics<subcore_parallel>], iteration_bounds = array<i64: 2, 16>, scalar_prefetch = 0 : i64, scratch_operands = 3 : i64, tpu.core_type = #tpu.core_type<sc_vector_subcore>, window_params = [{transform_indices = #map}, {transform_indices = #map1}, {transform_indices = #map}]} {
    %mul3A = arith.constant 2 : i32
    %mul3A_0 = arith.muli %arg1, %mul3A : i32
    %add3A = arith.addi %mul3A_0, %arg0 : i32
    %mul3A_1 = arith.constant 3840 : i32
    %mul3A_2 = arith.muli %add3A, %mul3A_1 : i32
    %scan3A = arith.constant 0 : i32
    %scan3A_3 = arith.constant 4 : i32
    %scan3A_4 = arith.addi %scan3A, %scan3A_3 : i32
    %scan3A_5 = arith.constant 1 : i32
    scf.for %scan3A_7 = %scan3A to %scan3A_4 step %scan3A_5  : i32 {
      %mul3A_8 = arith.constant 1 : i32
      %mul3A_9 = arith.muli %scan3A_7, %mul3A_8 : i32
      %add3A_10 = arith.constant 0 : i32
      %add3A_11 = arith.addi %add3A_10, %mul3A_9 : i32
      %mul3A_12 = arith.constant 960 : i32
      %mul3A_13 = arith.muli %add3A_11, %mul3A_12 : i32
      %add3A_14 = arith.addi %mul3A_2, %mul3A_13 : i32
      "tpu.region"() ({
        %run_scoped3A = tpu.sem_alloc : memref<!tpu.dma_semaphore, #tpu.memory_space<semaphore_mem>>
        %dma_start3A_19 = tpu.memref_slice %arg3[%add3A_14] : memref<122880xi32, #tpu.memory_space<hbm>> -> memref<960xi32, #tpu.memory_space<hbm>>
        %dma_start3A_20 = tpu.memref_slice %arg3[%add3A_14] : memref<122880xi32, #tpu.memory_space<hbm>> -> memref<960xi32, #tpu.memory_space<hbm>>
        tpu.enqueue_dma source(%dma_start3A_20 : memref<960xi32, #tpu.memory_space<hbm>>) target(%arg5 : memref<960xi32, #tpu.memory_space<vmem>>) target_semaphore(%run_scoped3A : memref<!tpu.dma_semaphore, #tpu.memory_space<semaphore_mem>>)
        %dma_wait3A_21 = tpu.memref_slice %arg3[%add3A_14] : memref<122880xi32, #tpu.memory_space<hbm>> -> memref<960xi32, #tpu.memory_space<hbm>>
        %dma_wait3A_22 = tpu.memref_slice %arg3[%add3A_14] : memref<122880xi32, #tpu.memory_space<hbm>> -> memref<960xi32, #tpu.memory_space<hbm>>
        tpu.wait_dma2 semaphore(%run_scoped3A : memref<!tpu.dma_semaphore, #tpu.memory_space<semaphore_mem>>) src(%dma_wait3A_22 : memref<960xi32, #tpu.memory_space<hbm>>) dst(%arg5 : memref<960xi32, #tpu.memory_space<vmem>>)
        tpu.yield
      }) : () -> ()
      %dma_start3A = arith.constant 0 : i32
      %dma_start3A_15 = arith.constant 0 : i32
      %dma_start3A_16 = tpu.memref_slice %arg2[%dma_start3A, %dma_start3A_15] : memref<829440x128xf32, #tpu.memory_space<hbm>> -> memref<829440x128xf32, #tpu.memory_space<hbm>>
      tpu.enqueue_indirect_dma source(%dma_start3A_16 : memref<829440x128xf32, #tpu.memory_space<hbm>>) target(%arg6 : memref<960x128xf32, #tpu.memory_space<vmem>>) offsets(%arg5 : memref<960xi32, #tpu.memory_space<vmem>>) semaphore(%arg7 : memref<!tpu.dma_semaphore, #tpu.memory_space<semaphore_mem>>)
      %dma_wait3A = arith.constant 0 : i32
      %dma_wait3A_17 = arith.constant 0 : i32
      %dma_wait3A_18 = tpu.memref_slice %arg2[%dma_wait3A, %dma_wait3A_17] : memref<829440x128xf32, #tpu.memory_space<hbm>> -> memref<829440x128xf32, #tpu.memory_space<hbm>>
      tpu.wait_indirect_dma semaphore(%arg7 : memref<!tpu.dma_semaphore, #tpu.memory_space<semaphore_mem>>) src(%dma_wait3A_18 : memref<829440x128xf32, #tpu.memory_space<hbm>>) dst(%arg6 : memref<960x128xf32, #tpu.memory_space<vmem>>)
      "tpu.region"() ({
        %run_scoped3A = tpu.sem_alloc : memref<!tpu.dma_semaphore, #tpu.memory_space<semaphore_mem>>
        %dma_start3A_19 = arith.constant 0 : i32
        %dma_start3A_20 = tpu.memref_slice %arg4[%add3A_14, %dma_start3A_19] : memref<122880x128xf32, #tpu.memory_space<hbm>> -> memref<960x128xf32, #tpu.memory_space<hbm>>
        %dma_start3A_21 = arith.constant 0 : i32
        %dma_start3A_22 = tpu.memref_slice %arg4[%add3A_14, %dma_start3A_21] : memref<122880x128xf32, #tpu.memory_space<hbm>> -> memref<960x128xf32, #tpu.memory_space<hbm>>
        tpu.enqueue_dma source(%arg6 : memref<960x128xf32, #tpu.memory_space<vmem>>) target(%dma_start3A_22 : memref<960x128xf32, #tpu.memory_space<hbm>>) target_semaphore(%run_scoped3A : memref<!tpu.dma_semaphore, #tpu.memory_space<semaphore_mem>>)
        %dma_wait3A_23 = arith.constant 0 : i32
        %dma_wait3A_24 = tpu.memref_slice %arg4[%add3A_14, %dma_wait3A_23] : memref<122880x128xf32, #tpu.memory_space<hbm>> -> memref<960x128xf32, #tpu.memory_space<hbm>>
        %dma_wait3A_25 = arith.constant 0 : i32
        %dma_wait3A_26 = tpu.memref_slice %arg4[%add3A_14, %dma_wait3A_25] : memref<122880x128xf32, #tpu.memory_space<hbm>> -> memref<960x128xf32, #tpu.memory_space<hbm>>
        tpu.wait_dma2 semaphore(%run_scoped3A : memref<!tpu.dma_semaphore, #tpu.memory_space<semaphore_mem>>) src(%arg6 : memref<960x128xf32, #tpu.memory_space<vmem>>) dst(%dma_wait3A_26 : memref<960x128xf32, #tpu.memory_space<hbm>>)
        tpu.yield
      }) : () -> ()
    }
    %scan3A_6 = arith.constant 4 : i32
    return
  }
}

#map = affine_map<(d0, d1) -> (0, 0)>
#map1 = affine_map<(d0, d1) -> (0)>
module attributes {stable_mosaic.version = 14 : i64} {
  func.func @gather_kernel(%arg0: i32, %arg1: i32, %arg2: memref<50000x128xf32, #tpu.memory_space<hbm>>, %arg3: memref<829440xi32, #tpu.memory_space<hbm>>, %arg4: memref<829440x128xf32, #tpu.memory_space<hbm>>, %arg5: memref<960xi32, #tpu.memory_space<vmem>>, %arg6: memref<960x128xf32, #tpu.memory_space<vmem>>, %arg7: memref<!tpu.dma_semaphore, #tpu.memory_space<semaphore_mem>>) attributes {dimension_semantics = [#tpu.dimension_semantics<core_parallel>, #tpu.dimension_semantics<subcore_parallel>], iteration_bounds = array<i64: 2, 16>, scalar_prefetch = 0 : i64, scratch_operands = 3 : i64, tpu.core_type = #tpu.core_type<sc_vector_subcore>, window_params = [{transform_indices = #map}, {transform_indices = #map1}, {transform_indices = #map}]} {
    %mul3A = arith.constant 2 : i32
    %mul3A_0 = arith.muli %arg1, %mul3A : i32
    %add3A = arith.addi %mul3A_0, %arg0 : i32
    %mul3A_1 = arith.constant 25920 : i32
    %mul3A_2 = arith.muli %add3A, %mul3A_1 : i32
    %scan3A = arith.constant 0 : i32
    %scan3A_3 = arith.constant 27 : i32
    %scan3A_4 = arith.addi %scan3A, %scan3A_3 : i32
    %scan3A_5 = arith.constant 1 : i32
    scf.for %scan3A_7 = %scan3A to %scan3A_4 step %scan3A_5  : i32 {
      %mul3A_8 = arith.constant 1 : i32
      %mul3A_9 = arith.muli %scan3A_7, %mul3A_8 : i32
      %add3A_10 = arith.constant 0 : i32
      %add3A_11 = arith.addi %add3A_10, %mul3A_9 : i32
      %mul3A_12 = arith.constant 960 : i32
      %mul3A_13 = arith.muli %add3A_11, %mul3A_12 : i32
      %add3A_14 = arith.addi %mul3A_2, %mul3A_13 : i32
      "tpu.region"() ({
        %run_scoped3A = tpu.sem_alloc : memref<!tpu.dma_semaphore, #tpu.memory_space<semaphore_mem>>
        %dma_start3A_19 = tpu.memref_slice %arg3[%add3A_14] : memref<829440xi32, #tpu.memory_space<hbm>> -> memref<960xi32, #tpu.memory_space<hbm>>
        %dma_start3A_20 = tpu.memref_slice %arg3[%add3A_14] : memref<829440xi32, #tpu.memory_space<hbm>> -> memref<960xi32, #tpu.memory_space<hbm>>
        tpu.enqueue_dma source(%dma_start3A_20 : memref<960xi32, #tpu.memory_space<hbm>>) target(%arg5 : memref<960xi32, #tpu.memory_space<vmem>>) target_semaphore(%run_scoped3A : memref<!tpu.dma_semaphore, #tpu.memory_space<semaphore_mem>>)
        %dma_wait3A_21 = tpu.memref_slice %arg3[%add3A_14] : memref<829440xi32, #tpu.memory_space<hbm>> -> memref<960xi32, #tpu.memory_space<hbm>>
        %dma_wait3A_22 = tpu.memref_slice %arg3[%add3A_14] : memref<829440xi32, #tpu.memory_space<hbm>> -> memref<960xi32, #tpu.memory_space<hbm>>
        tpu.wait_dma2 semaphore(%run_scoped3A : memref<!tpu.dma_semaphore, #tpu.memory_space<semaphore_mem>>) src(%dma_wait3A_22 : memref<960xi32, #tpu.memory_space<hbm>>) dst(%arg5 : memref<960xi32, #tpu.memory_space<vmem>>)
        tpu.yield
      }) : () -> ()
      %dma_start3A = arith.constant 0 : i32
      %dma_start3A_15 = arith.constant 0 : i32
      %dma_start3A_16 = tpu.memref_slice %arg2[%dma_start3A, %dma_start3A_15] : memref<50000x128xf32, #tpu.memory_space<hbm>> -> memref<50000x128xf32, #tpu.memory_space<hbm>>
      tpu.enqueue_indirect_dma source(%dma_start3A_16 : memref<50000x128xf32, #tpu.memory_space<hbm>>) target(%arg6 : memref<960x128xf32, #tpu.memory_space<vmem>>) offsets(%arg5 : memref<960xi32, #tpu.memory_space<vmem>>) semaphore(%arg7 : memref<!tpu.dma_semaphore, #tpu.memory_space<semaphore_mem>>)
      %dma_wait3A = arith.constant 0 : i32
      %dma_wait3A_17 = arith.constant 0 : i32
      %dma_wait3A_18 = tpu.memref_slice %arg2[%dma_wait3A, %dma_wait3A_17] : memref<50000x128xf32, #tpu.memory_space<hbm>> -> memref<50000x128xf32, #tpu.memory_space<hbm>>
      tpu.wait_indirect_dma semaphore(%arg7 : memref<!tpu.dma_semaphore, #tpu.memory_space<semaphore_mem>>) src(%dma_wait3A_18 : memref<50000x128xf32, #tpu.memory_space<hbm>>) dst(%arg6 : memref<960x128xf32, #tpu.memory_space<vmem>>)
      "tpu.region"() ({
        %run_scoped3A = tpu.sem_alloc : memref<!tpu.dma_semaphore, #tpu.memory_space<semaphore_mem>>
        %dma_start3A_19 = arith.constant 0 : i32
        %dma_start3A_20 = tpu.memref_slice %arg4[%add3A_14, %dma_start3A_19] : memref<829440x128xf32, #tpu.memory_space<hbm>> -> memref<960x128xf32, #tpu.memory_space<hbm>>
        %dma_start3A_21 = arith.constant 0 : i32
        %dma_start3A_22 = tpu.memref_slice %arg4[%add3A_14, %dma_start3A_21] : memref<829440x128xf32, #tpu.memory_space<hbm>> -> memref<960x128xf32, #tpu.memory_space<hbm>>
        tpu.enqueue_dma source(%arg6 : memref<960x128xf32, #tpu.memory_space<vmem>>) target(%dma_start3A_22 : memref<960x128xf32, #tpu.memory_space<hbm>>) target_semaphore(%run_scoped3A : memref<!tpu.dma_semaphore, #tpu.memory_space<semaphore_mem>>)
        %dma_wait3A_23 = arith.constant 0 : i32
        %dma_wait3A_24 = tpu.memref_slice %arg4[%add3A_14, %dma_wait3A_23] : memref<829440x128xf32, #tpu.memory_space<hbm>> -> memref<960x128xf32, #tpu.memory_space<hbm>>
        %dma_wait3A_25 = arith.constant 0 : i32
        %dma_wait3A_26 = tpu.memref_slice %arg4[%add3A_14, %dma_wait3A_25] : memref<829440x128xf32, #tpu.memory_space<hbm>> -> memref<960x128xf32, #tpu.memory_space<hbm>>
        tpu.wait_dma2 semaphore(%run_scoped3A : memref<!tpu.dma_semaphore, #tpu.memory_space<semaphore_mem>>) src(%arg6 : memref<960x128xf32, #tpu.memory_space<vmem>>) dst(%dma_wait3A_26 : memref<960x128xf32, #tpu.memory_space<hbm>>)
        tpu.yield
      }) : () -> ()
    }
    %scan3A_6 = arith.constant 27 : i32
    return
  }
}

#map = affine_map<(d0, d1) -> (0, 0)>
#map1 = affine_map<(d0, d1) -> (0)>
module attributes {stable_mosaic.version = 14 : i64} {
  func.func @gather_kernel(%arg0: i32, %arg1: i32, %arg2: memref<50000x128xf32, #tpu.memory_space<hbm>>, %arg3: memref<829440xi32, #tpu.memory_space<hbm>>, %arg4: memref<829440x128xf32, #tpu.memory_space<hbm>>, %arg5: memref<960xi32, #tpu.memory_space<vmem>>, %arg6: memref<960x128xf32, #tpu.memory_space<vmem>>, %arg7: memref<!tpu.dma_semaphore, #tpu.memory_space<semaphore_mem>>) attributes {dimension_semantics = [#tpu.dimension_semantics<core_parallel>, #tpu.dimension_semantics<subcore_parallel>], iteration_bounds = array<i64: 2, 16>, scalar_prefetch = 0 : i64, scratch_operands = 3 : i64, tpu.core_type = #tpu.core_type<sc_vector_subcore>, window_params = [{transform_indices = #map}, {transform_indices = #map1}, {transform_indices = #map}]} {
    %mul3A = arith.constant 2 : i32
    %mul3A_0 = arith.muli %arg1, %mul3A : i32
    %add3A = arith.addi %mul3A_0, %arg0 : i32
    %mul3A_1 = arith.constant 25920 : i32
    %mul3A_2 = arith.muli %add3A, %mul3A_1 : i32
    %scan3A = arith.constant 0 : i32
    %scan3A_3 = arith.constant 27 : i32
    %scan3A_4 = arith.addi %scan3A, %scan3A_3 : i32
    %scan3A_5 = arith.constant 1 : i32
    scf.for %scan3A_7 = %scan3A to %scan3A_4 step %scan3A_5  : i32 {
      %mul3A_8 = arith.constant 1 : i32
      %mul3A_9 = arith.muli %scan3A_7, %mul3A_8 : i32
      %add3A_10 = arith.constant 0 : i32
      %add3A_11 = arith.addi %add3A_10, %mul3A_9 : i32
      %mul3A_12 = arith.constant 960 : i32
      %mul3A_13 = arith.muli %add3A_11, %mul3A_12 : i32
      %add3A_14 = arith.addi %mul3A_2, %mul3A_13 : i32
      "tpu.region"() ({
        %run_scoped3A = tpu.sem_alloc : memref<!tpu.dma_semaphore, #tpu.memory_space<semaphore_mem>>
        %dma_start3A_19 = tpu.memref_slice %arg3[%add3A_14] : memref<829440xi32, #tpu.memory_space<hbm>> -> memref<960xi32, #tpu.memory_space<hbm>>
        %dma_start3A_20 = tpu.memref_slice %arg3[%add3A_14] : memref<829440xi32, #tpu.memory_space<hbm>> -> memref<960xi32, #tpu.memory_space<hbm>>
        tpu.enqueue_dma source(%dma_start3A_20 : memref<960xi32, #tpu.memory_space<hbm>>) target(%arg5 : memref<960xi32, #tpu.memory_space<vmem>>) target_semaphore(%run_scoped3A : memref<!tpu.dma_semaphore, #tpu.memory_space<semaphore_mem>>)
        %dma_wait3A_21 = tpu.memref_slice %arg3[%add3A_14] : memref<829440xi32, #tpu.memory_space<hbm>> -> memref<960xi32, #tpu.memory_space<hbm>>
        %dma_wait3A_22 = tpu.memref_slice %arg3[%add3A_14] : memref<829440xi32, #tpu.memory_space<hbm>> -> memref<960xi32, #tpu.memory_space<hbm>>
        tpu.wait_dma2 semaphore(%run_scoped3A : memref<!tpu.dma_semaphore, #tpu.memory_space<semaphore_mem>>) src(%dma_wait3A_22 : memref<960xi32, #tpu.memory_space<hbm>>) dst(%arg5 : memref<960xi32, #tpu.memory_space<vmem>>)
        tpu.yield
      }) : () -> ()
      %dma_start3A = arith.constant 0 : i32
      %dma_start3A_15 = arith.constant 0 : i32
      %dma_start3A_16 = tpu.memref_slice %arg2[%dma_start3A, %dma_start3A_15] : memref<50000x128xf32, #tpu.memory_space<hbm>> -> memref<50000x128xf32, #tpu.memory_space<hbm>>
      tpu.enqueue_indirect_dma source(%dma_start3A_16 : memref<50000x128xf32, #tpu.memory_space<hbm>>) target(%arg6 : memref<960x128xf32, #tpu.memory_space<vmem>>) offsets(%arg5 : memref<960xi32, #tpu.memory_space<vmem>>) semaphore(%arg7 : memref<!tpu.dma_semaphore, #tpu.memory_space<semaphore_mem>>)
      %dma_wait3A = arith.constant 0 : i32
      %dma_wait3A_17 = arith.constant 0 : i32
      %dma_wait3A_18 = tpu.memref_slice %arg2[%dma_wait3A, %dma_wait3A_17] : memref<50000x128xf32, #tpu.memory_space<hbm>> -> memref<50000x128xf32, #tpu.memory_space<hbm>>
      tpu.wait_indirect_dma semaphore(%arg7 : memref<!tpu.dma_semaphore, #tpu.memory_space<semaphore_mem>>) src(%dma_wait3A_18 : memref<50000x128xf32, #tpu.memory_space<hbm>>) dst(%arg6 : memref<960x128xf32, #tpu.memory_space<vmem>>)
      "tpu.region"() ({
        %run_scoped3A = tpu.sem_alloc : memref<!tpu.dma_semaphore, #tpu.memory_space<semaphore_mem>>
        %dma_start3A_19 = arith.constant 0 : i32
        %dma_start3A_20 = tpu.memref_slice %arg4[%add3A_14, %dma_start3A_19] : memref<829440x128xf32, #tpu.memory_space<hbm>> -> memref<960x128xf32, #tpu.memory_space<hbm>>
        %dma_start3A_21 = arith.constant 0 : i32
        %dma_start3A_22 = tpu.memref_slice %arg4[%add3A_14, %dma_start3A_21] : memref<829440x128xf32, #tpu.memory_space<hbm>> -> memref<960x128xf32, #tpu.memory_space<hbm>>
        tpu.enqueue_dma source(%arg6 : memref<960x128xf32, #tpu.memory_space<vmem>>) target(%dma_start3A_22 : memref<960x128xf32, #tpu.memory_space<hbm>>) target_semaphore(%run_scoped3A : memref<!tpu.dma_semaphore, #tpu.memory_space<semaphore_mem>>)
        %dma_wait3A_23 = arith.constant 0 : i32
        %dma_wait3A_24 = tpu.memref_slice %arg4[%add3A_14, %dma_wait3A_23] : memref<829440x128xf32, #tpu.memory_space<hbm>> -> memref<960x128xf32, #tpu.memory_space<hbm>>
        %dma_wait3A_25 = arith.constant 0 : i32
        %dma_wait3A_26 = tpu.memref_slice %arg4[%add3A_14, %dma_wait3A_25] : memref<829440x128xf32, #tpu.memory_space<hbm>> -> memref<960x128xf32, #tpu.memory_space<hbm>>
        tpu.wait_dma2 semaphore(%run_scoped3A : memref<!tpu.dma_semaphore, #tpu.memory_space<semaphore_mem>>) src(%arg6 : memref<960x128xf32, #tpu.memory_space<vmem>>) dst(%dma_wait3A_26 : memref<960x128xf32, #tpu.memory_space<hbm>>)
        tpu.yield
      }) : () -> ()
    }
    %scan3A_6 = arith.constant 27 : i32
    return
  }
}

module attributes {stable_mosaic.version = 14 : i64} {
  func.func @_prep_body(%arg0: i32, %arg1: memref<1000x3xf32, #tpu.memory_space<vmem>>, %arg2: memref<1000x64xf32, #tpu.memory_space<vmem>>, %arg3: memref<3x64xf32, #tpu.memory_space<vmem>>, %arg4: memref<3x64xf32, #tpu.memory_space<vmem>>, %arg5: memref<1x64xf32, #tpu.memory_space<vmem>>, %arg6: memref<1000x128xf32, #tpu.memory_space<vmem>>, %arg7: memref<1000x128xf32, #tpu.memory_space<vmem>>) attributes {dimension_semantics = [#tpu.dimension_semantics<arbitrary>], iteration_bounds = array<i64: 50>, scalar_prefetch = 0 : i64, scratch_operands = 0 : i64, tpu.core_type = #tpu.core_type<tc>, window_params = [{transform_indices = @transform_0, window_bounds = array<i64: 1000, 3>}, {transform_indices = @transform_1, window_bounds = array<i64: 1000, 64>}, {pipeline_mode = #tpu.pipeline_mode<synchronous>, transform_indices = @transform_2, window_bounds = array<i64: 3, 64>}, {pipeline_mode = #tpu.pipeline_mode<synchronous>, transform_indices = @transform_3, window_bounds = array<i64: 3, 64>}, {pipeline_mode = #tpu.pipeline_mode<synchronous>, transform_indices = @transform_4, window_bounds = array<i64: 1, 64>}, {transform_indices = @transform_5, window_bounds = array<i64: 1000, 128>}, {transform_indices = @transform_6, window_bounds = array<i64: 1000, 128>}]} {
    %get3A = arith.constant 0 : index
    %get3A_0 = arith.constant 0 : index
    %get3A_1 = vector.load %arg1[%get3A, %get3A_0] : memref<1000x3xf32, #tpu.memory_space<vmem>>, vector<1000x3xf32>
    %get3A_2 = arith.constant 0 : index
    %get3A_3 = arith.constant 0 : index
    %get3A_4 = vector.load %arg3[%get3A_2, %get3A_3] : memref<3x64xf32, #tpu.memory_space<vmem>>, vector<3x64xf32>
    %dot_general3A = arith.constant dense<0.000000e+00> : vector<1000x64xf32>
    %dot_general3A_5 = tpu.matmul %get3A_1, %get3A_4, %dot_general3A {dimension_numbers = #tpu.dot_dimension_numbers<[1], [0], [0], [1], [0, 0, 1, 1], [], []>, precision = #tpu.contract_precision<fp32>, transpose_lhs_hint = false} : vector<1000x3xf32>, vector<3x64xf32>, vector<1000x64xf32> -> vector<1000x64xf32>
    %get3A_6 = arith.constant 0 : index
    %get3A_7 = arith.constant 0 : index
    %get3A_8 = vector.load %arg2[%get3A_6, %get3A_7] : memref<1000x64xf32, #tpu.memory_space<vmem>>, vector<1000x64xf32>
    %concatenate3A = tpu.concatenate %dot_general3A_5, %get3A_8 in 1 : vector<1000x64xf32>, vector<1000x64xf32> -> vector<1000x128xf32>
    %swap3A = arith.constant 0 : index
    %swap3A_9 = arith.constant 0 : index
    %swap3A_10 = vector.load %arg6[%swap3A, %swap3A_9] : memref<1000x128xf32, #tpu.memory_space<vmem>>, vector<1000x128xf32>
    tpu.vector_store %arg6[%swap3A, %swap3A_9], %concatenate3A {strides = array<i32>} : memref<1000x128xf32, #tpu.memory_space<vmem>>, vector<1000x128xf32>,
    %get3A_11 = arith.constant 0 : index
    %get3A_12 = arith.constant 0 : index
    %get3A_13 = vector.load %arg4[%get3A_11, %get3A_12] : memref<3x64xf32, #tpu.memory_space<vmem>>, vector<3x64xf32>
    %dot_general3A_14 = arith.constant dense<0.000000e+00> : vector<1000x64xf32>
    %dot_general3A_15 = tpu.matmul %get3A_1, %get3A_13, %dot_general3A_14 {dimension_numbers = #tpu.dot_dimension_numbers<[1], [0], [0], [1], [0, 0, 1, 1], [], []>, precision = #tpu.contract_precision<fp32>, transpose_lhs_hint = false} : vector<1000x3xf32>, vector<3x64xf32>, vector<1000x64xf32> -> vector<1000x64xf32>
    %get3A_16 = arith.constant 0 : index
    %get3A_17 = arith.constant 0 : index
    %get3A_18 = vector.load %arg5[%get3A_16, %get3A_17] : memref<1x64xf32, #tpu.memory_space<vmem>>, vector<1x64xf32>
    %add3A = vector.broadcast %get3A_18 : vector<1x64xf32> to vector<1000x64xf32>
    %add3A_19 = arith.addf %dot_general3A_15, %add3A : vector<1000x64xf32>
    %broadcast_in_dim3A = arith.constant 0.000000e+00 : f32
    %broadcast_in_dim3A_20 = vector.broadcast %broadcast_in_dim3A : f32 to vector<1000x64xf32>
    %concatenate3A_21 = tpu.concatenate %add3A_19, %broadcast_in_dim3A_20 in 1 : vector<1000x64xf32>, vector<1000x64xf32> -> vector<1000x128xf32>
    %swap3A_22 = arith.constant 0 : index
    %swap3A_23 = arith.constant 0 : index
    %swap3A_24 = vector.load %arg7[%swap3A_22, %swap3A_23] : memref<1000x128xf32, #tpu.memory_space<vmem>>, vector<1000x128xf32>
    tpu.vector_store %arg7[%swap3A_22, %swap3A_23], %concatenate3A_21 {strides = array<i32>} : memref<1000x128xf32, #tpu.memory_space<vmem>>, vector<1000x128xf32>,
    return
  }
  func.func @transform_0(%arg0: i32) -> (i32, i32) {
    %c0_i32 = arith.constant 0 : i32
    %c0_i32_0 = arith.constant 0 : i32
    return %arg0, %c0_i32 : i32, i32
  }
  func.func @transform_1(%arg0: i32) -> (i32, i32) {
    %c0_i32 = arith.constant 0 : i32
    %c0_i32_0 = arith.constant 0 : i32
    return %arg0, %c0_i32 : i32, i32
  }
  func.func @transform_2(%arg0: i32) -> (i32, i32) {
    %c0_i32 = arith.constant 0 : i32
    %c0_i32_0 = arith.constant 0 : i32
    %c0_i32_1 = arith.constant 0 : i32
    return %c0_i32, %c0_i32_0 : i32, i32
  }
  func.func @transform_3(%arg0: i32) -> (i32, i32) {
    %c0_i32 = arith.constant 0 : i32
    %c0_i32_0 = arith.constant 0 : i32
    %c0_i32_1 = arith.constant 0 : i32
    return %c0_i32, %c0_i32_0 : i32, i32
  }
  func.func @transform_4(%arg0: i32) -> (i32, i32) {
    %c0_i32 = arith.constant 0 : i32
    %c0_i32_0 = arith.constant 0 : i32
    %c0_i32_1 = arith.constant 0 : i32
    return %c0_i32, %c0_i32_0 : i32, i32
  }
  func.func @transform_5(%arg0: i32) -> (i32, i32) {
    %c0_i32 = arith.constant 0 : i32
    %c0_i32_0 = arith.constant 0 : i32
    return %arg0, %c0_i32 : i32, i32
  }
  func.func @transform_6(%arg0: i32) -> (i32, i32) {
    %c0_i32 = arith.constant 0 : i32
    %c0_i32_0 = arith.constant 0 : i32
    return %arg0, %c0_i32 : i32, i32
  }
}

module attributes {stable_mosaic.version = 14 : i64} {
  func.func @_edge_body(%arg0: i32, %arg1: memref<1536x128xf32, #tpu.memory_space<vmem>>, %arg2: memref<1536x128xf32, #tpu.memory_space<vmem>>, %arg3: memref<64x64xf32, #tpu.memory_space<vmem>>, %arg4: memref<1x64xf32, #tpu.memory_space<vmem>>, %arg5: memref<1536x128xf32, #tpu.memory_space<vmem>>, %arg6: memref<1x64xf32, #tpu.memory_space<vmem>>) attributes {dimension_semantics = [#tpu.dimension_semantics<arbitrary>], iteration_bounds = array<i64: 540>, scalar_prefetch = 0 : i64, scratch_operands = 1 : i64, tpu.core_type = #tpu.core_type<tc>, window_params = [{transform_indices = @transform_0, window_bounds = array<i64: 1536, 128>}, {transform_indices = @transform_1, window_bounds = array<i64: 1536, 128>}, {pipeline_mode = #tpu.pipeline_mode<synchronous>, transform_indices = @transform_2, window_bounds = array<i64: 64, 64>}, {pipeline_mode = #tpu.pipeline_mode<synchronous>, transform_indices = @transform_3, window_bounds = array<i64: 1, 64>}, {transform_indices = @transform_4, window_bounds = array<i64: 1536, 128>}]} {
    %eq3A = arith.constant 0 : i32
    %eq3A_0 = arith.cmpi eq, %arg0, %eq3A : i32
    %convert_element_type3A = arith.extui %eq3A_0 : i1 to i32
    %cond3A = arith.constant 0 : i32
    %cond3A_1 = arith.cmpi ne, %convert_element_type3A, %cond3A : i32
    scf.if %cond3A_1 {
      %broadcast_in_dim3A_58 = arith.constant 0.000000e+00 : f32
      %broadcast_in_dim3A_59 = vector.broadcast %broadcast_in_dim3A_58 : f32 to vector<1x64xf32>
      %swap3A_60 = arith.constant 0 : index
      %swap3A_61 = arith.constant 0 : index
      %swap3A_62 = vector.load %arg6[%swap3A_60, %swap3A_61] : memref<1x64xf32, #tpu.memory_space<vmem>>, vector<1x64xf32>
      tpu.vector_store %arg6[%swap3A_60, %swap3A_61], %broadcast_in_dim3A_59 {strides = array<i32>} : memref<1x64xf32, #tpu.memory_space<vmem>>, vector<1x64xf32>,
    } else {
    }
    %get3A = arith.constant 0 : index
    %get3A_2 = arith.constant 0 : index
    %get3A_3 = vector.load %arg1[%get3A, %get3A_2] : memref<1536x128xf32, #tpu.memory_space<vmem>>, vector<1536x128xf32>
    %slice3A = vector.extract_strided_slice %get3A_3 {offsets = [0, 0], sizes = [1536, 64], strides = [1, 1]} : vector<1536x128xf32> to vector<1536x64xf32>
    %slice3A_4 = vector.extract_strided_slice %get3A_3 {offsets = [0, 64], sizes = [1536, 64], strides = [1, 1]} : vector<1536x128xf32> to vector<1536x64xf32>
    %get3A_5 = arith.constant 0 : index
    %get3A_6 = arith.constant 0 : index
    %get3A_7 = vector.load %arg2[%get3A_5, %get3A_6] : memref<1536x128xf32, #tpu.memory_space<vmem>>, vector<1536x64xf32>
    %add3A = arith.addf %slice3A, %get3A_7 : vector<1536x64xf32>
    %mul3A = arith.constant 5.000000e-01 : f32
    %mul3A_8 = vector.broadcast %mul3A : f32 to vector<1536x64xf32>
    %mul3A_9 = arith.mulf %add3A, %mul3A_8 : vector<1536x64xf32>
    %mul3A_10 = arith.constant 0.707106769 : f32
    %mul3A_11 = vector.broadcast %mul3A_10 : f32 to vector<1536x64xf32>
    %mul3A_12 = arith.mulf %add3A, %mul3A_11 : vector<1536x64xf32>
    %erf3A = math.erf %mul3A_12 : vector<1536x64xf32>
    %add3A_13 = arith.constant 1.000000e+00 : f32
    %add3A_14 = vector.broadcast %add3A_13 : f32 to vector<1536x64xf32>
    %add3A_15 = arith.addf %add3A_14, %erf3A : vector<1536x64xf32>
    %mul3A_16 = arith.mulf %mul3A_9, %add3A_15 : vector<1536x64xf32>
    %get3A_17 = arith.constant 0 : index
    %get3A_18 = arith.constant 0 : index
    %get3A_19 = vector.load %arg3[%get3A_17, %get3A_18] : memref<64x64xf32, #tpu.memory_space<vmem>>, vector<64x64xf32>
    %dot_general3A = arith.constant dense<0.000000e+00> : vector<1536x64xf32>
    %dot_general3A_20 = tpu.matmul %mul3A_16, %get3A_19, %dot_general3A {dimension_numbers = #tpu.dot_dimension_numbers<[1], [0], [0], [1], [0, 0, 1, 1], [], []>, precision = #tpu.contract_precision<fp32>, transpose_lhs_hint = false} : vector<1536x64xf32>, vector<64x64xf32>, vector<1536x64xf32> -> vector<1536x64xf32>
    %get3A_21 = arith.constant 0 : index
    %get3A_22 = arith.constant 0 : index
    %get3A_23 = vector.load %arg4[%get3A_21, %get3A_22] : memref<1x64xf32, #tpu.memory_space<vmem>>, vector<1x64xf32>
    %add3A_24 = vector.broadcast %get3A_23 : vector<1x64xf32> to vector<1536x64xf32>
    %add3A_25 = arith.addf %dot_general3A_20, %add3A_24 : vector<1536x64xf32>
    %mul3A_26 = arith.mulf %add3A_25, %slice3A_4 : vector<1536x64xf32>
    %reshape3A = vector.shape_cast %mul3A_26 : vector<1536x64xf32> to vector<48x32x64xf32>
    %iota3A = tpu.iota {dimensions = array<i32: 0>} : vector<32x32xi32>
    %iota3A_27 = tpu.iota {dimensions = array<i32: 1>} : vector<32x32xi32>
    %ge3A = arith.cmpi sge, %iota3A, %iota3A_27 : vector<32x32xi32>
    %convert_element_type3A_28 = arith.extui %ge3A : vector<32x32xi1> to vector<32x32xi32>
    %convert_element_type3A_29 = arith.sitofp %convert_element_type3A_28 : vector<32x32xi32> to vector<32x32xf32>
    %iota3A_30 = tpu.iota {dimensions = array<i32: 0>} : vector<48x48xi32>
    %iota3A_31 = tpu.iota {dimensions = array<i32: 1>} : vector<48x48xi32>
    %gt3A = arith.cmpi sgt, %iota3A_30, %iota3A_31 : vector<48x48xi32>
    %convert_element_type3A_32 = arith.extui %gt3A : vector<48x48xi1> to vector<48x48xi32>
    %convert_element_type3A_33 = arith.sitofp %convert_element_type3A_32 : vector<48x48xi32> to vector<48x48xf32>
    %broadcast_in_dim3A = vector.shape_cast %convert_element_type3A_29 : vector<32x32xf32> to vector<1x32x32xf32>
    %broadcast_in_dim3A_34 = vector.broadcast %broadcast_in_dim3A : vector<1x32x32xf32> to vector<48x32x32xf32>
    %dot_general3A_35 = arith.constant dense<0.000000e+00> : vector<48x32x64xf32>
    %dot_general3A_36 = tpu.matmul %broadcast_in_dim3A_34, %reshape3A, %dot_general3A_35 {dimension_numbers = #tpu.dot_dimension_numbers<[2], [1], [1], [2], [0, 0, 0, 1, 1, 2], [0], [0]>, precision = #tpu.contract_precision<fp32>, transpose_lhs_hint = false} : vector<48x32x32xf32>, vector<48x32x64xf32>, vector<48x32x64xf32> -> vector<48x32x64xf32>
    %reduce_sum3A = arith.constant dense<0.000000e+00> : vector<48x64xf32>
    %reduce_sum3A_37 = vector.multi_reduction <add>, %reshape3A, %reduce_sum3A [1] : vector<48x32x64xf32> to vector<48x64xf32>
    %dot_general3A_38 = arith.constant dense<0.000000e+00> : vector<48x64xf32>
    %dot_general3A_39 = tpu.matmul %convert_element_type3A_33, %reduce_sum3A_37, %dot_general3A_38 {dimension_numbers = #tpu.dot_dimension_numbers<[1], [0], [0], [1], [0, 0, 1, 1], [], []>, precision = #tpu.contract_precision<fp32>, transpose_lhs_hint = false} : vector<48x48xf32>, vector<48x64xf32>, vector<48x64xf32> -> vector<48x64xf32>
    %broadcast_in_dim3A_40 = vector.shape_cast %dot_general3A_39 : vector<48x64xf32> to vector<48x1x64xf32>
    %add3A_41 = vector.broadcast %broadcast_in_dim3A_40 : vector<48x1x64xf32> to vector<48x32x64xf32>
    %add3A_42 = arith.addf %dot_general3A_36, %add3A_41 : vector<48x32x64xf32>
    %get3A_43 = arith.constant 0 : index
    %get3A_44 = arith.constant 0 : index
    %get3A_45 = vector.load %arg6[%get3A_43, %get3A_44] : memref<1x64xf32, #tpu.memory_space<vmem>>, vector<1x64xf32>
    %broadcast_in_dim3A_46 = vector.shape_cast %get3A_45 : vector<1x64xf32> to vector<1x1x64xf32>
    %add3A_47 = vector.broadcast %broadcast_in_dim3A_46 : vector<1x1x64xf32> to vector<48x32x64xf32>
    %add3A_48 = arith.addf %add3A_42, %add3A_47 : vector<48x32x64xf32>
    %reshape3A_49 = vector.shape_cast %add3A_48 : vector<48x32x64xf32> to vector<1536x64xf32>
    %broadcast_in_dim3A_50 = arith.constant 0.000000e+00 : f32
    %broadcast_in_dim3A_51 = vector.broadcast %broadcast_in_dim3A_50 : f32 to vector<1536x64xf32>
    %concatenate3A = tpu.concatenate %reshape3A_49, %broadcast_in_dim3A_51 in 1 : vector<1536x64xf32>, vector<1536x64xf32> -> vector<1536x128xf32>
    %swap3A = arith.constant 0 : index
    %swap3A_52 = arith.constant 0 : index
    %swap3A_53 = vector.load %arg5[%swap3A, %swap3A_52] : memref<1536x128xf32, #tpu.memory_space<vmem>>, vector<1536x128xf32>
    tpu.vector_store %arg5[%swap3A, %swap3A_52], %concatenate3A {strides = array<i32>} : memref<1536x128xf32, #tpu.memory_space<vmem>>, vector<1536x128xf32>,
    %slice3A_54 = vector.extract_strided_slice %reshape3A_49 {offsets = [1535, 0], sizes = [1, 64], strides = [1, 1]} : vector<1536x64xf32> to vector<1x64xf32>
    %swap3A_55 = arith.constant 0 : index
    %swap3A_56 = arith.constant 0 : index
    %swap3A_57 = vector.load %arg6[%swap3A_55, %swap3A_56] : memref<1x64xf32, #tpu.memory_space<vmem>>, vector<1x64xf32>
    tpu.vector_store %arg6[%swap3A_55, %swap3A_56], %slice3A_54 {strides = array<i32>} : memref<1x64xf32, #tpu.memory_space<vmem>>, vector<1x64xf32>,
    return
  }
  func.func @transform_0(%arg0: i32) -> (i32, i32) {
    %c0_i32 = arith.constant 0 : i32
    %c0_i32_0 = arith.constant 0 : i32
    return %arg0, %c0_i32 : i32, i32
  }
  func.func @transform_1(%arg0: i32) -> (i32, i32) {
    %c0_i32 = arith.constant 0 : i32
    %c0_i32_0 = arith.constant 0 : i32
    return %arg0, %c0_i32 : i32, i32
  }
  func.func @transform_2(%arg0: i32) -> (i32, i32) {
    %c0_i32 = arith.constant 0 : i32
    %c0_i32_0 = arith.constant 0 : i32
    %c0_i32_1 = arith.constant 0 : i32
    return %c0_i32, %c0_i32_0 : i32, i32
  }
  func.func @transform_3(%arg0: i32) -> (i32, i32) {
    %c0_i32 = arith.constant 0 : i32
    %c0_i32_0 = arith.constant 0 : i32
    %c0_i32_1 = arith.constant 0 : i32
    return %c0_i32, %c0_i32_0 : i32, i32
  }
  func.func @transform_4(%arg0: i32) -> (i32, i32) {
    %c0_i32 = arith.constant 0 : i32
    %c0_i32_0 = arith.constant 0 : i32
    return %arg0, %c0_i32 : i32, i32
  }
}

module attributes {stable_mosaic.version = 14 : i64} {
  func.func @_combine_body(%arg0: i32, %arg1: memref<1000x128xf32, #tpu.memory_space<vmem>>, %arg2: memref<1000x128xf32, #tpu.memory_space<vmem>>, %arg3: memref<1000x1xf32, #tpu.memory_space<vmem>>, %arg4: memref<1000x1xf32, #tpu.memory_space<vmem>>, %arg5: memref<1000x64xf32, #tpu.memory_space<vmem>>) attributes {dimension_semantics = [#tpu.dimension_semantics<arbitrary>], iteration_bounds = array<i64: 50>, scalar_prefetch = 0 : i64, scratch_operands = 0 : i64, tpu.core_type = #tpu.core_type<tc>, window_params = [{transform_indices = @transform_0, window_bounds = array<i64: 1000, 128>}, {transform_indices = @transform_1, window_bounds = array<i64: 1000, 128>}, {transform_indices = @transform_2, window_bounds = array<i64: 1000, 1>}, {transform_indices = @transform_3, window_bounds = array<i64: 1000, 1>}, {transform_indices = @transform_4, window_bounds = array<i64: 1000, 64>}]} {
    %get3A = arith.constant 0 : index
    %get3A_0 = arith.constant 0 : index
    %get3A_1 = vector.load %arg1[%get3A, %get3A_0] : memref<1000x128xf32, #tpu.memory_space<vmem>>, vector<1000x64xf32>
    %get3A_2 = arith.constant 0 : index
    %get3A_3 = arith.constant 0 : index
    %get3A_4 = vector.load %arg3[%get3A_2, %get3A_3] : memref<1000x1xf32, #tpu.memory_space<vmem>>, vector<1000x1xf32>
    %mul3A = vector.broadcast %get3A_4 : vector<1000x1xf32> to vector<1000x64xf32>
    %mul3A_5 = arith.mulf %get3A_1, %mul3A : vector<1000x64xf32>
    %get3A_6 = arith.constant 0 : index
    %get3A_7 = arith.constant 0 : index
    %get3A_8 = vector.load %arg2[%get3A_6, %get3A_7] : memref<1000x128xf32, #tpu.memory_space<vmem>>, vector<1000x64xf32>
    %get3A_9 = arith.constant 0 : index
    %get3A_10 = arith.constant 0 : index
    %get3A_11 = vector.load %arg4[%get3A_9, %get3A_10] : memref<1000x1xf32, #tpu.memory_space<vmem>>, vector<1000x1xf32>
    %mul3A_12 = vector.broadcast %get3A_11 : vector<1000x1xf32> to vector<1000x64xf32>
    %mul3A_13 = arith.mulf %get3A_8, %mul3A_12 : vector<1000x64xf32>
    %sub3A = arith.subf %mul3A_5, %mul3A_13 : vector<1000x64xf32>
    %swap3A = arith.constant 0 : index
    %swap3A_14 = arith.constant 0 : index
    %swap3A_15 = vector.load %arg5[%swap3A, %swap3A_14] : memref<1000x64xf32, #tpu.memory_space<vmem>>, vector<1000x64xf32>
    tpu.vector_store %arg5[%swap3A, %swap3A_14], %sub3A {strides = array<i32>} : memref<1000x64xf32, #tpu.memory_space<vmem>>, vector<1000x64xf32>,
    return
  }
  func.func @transform_0(%arg0: i32) -> (i32, i32) {
    %c0_i32 = arith.constant 0 : i32
    %c0_i32_0 = arith.constant 0 : i32
    return %arg0, %c0_i32 : i32, i32
  }
  func.func @transform_1(%arg0: i32) -> (i32, i32) {
    %c0_i32 = arith.constant 0 : i32
    %c0_i32_0 = arith.constant 0 : i32
    return %arg0, %c0_i32 : i32, i32
  }
  func.func @transform_2(%arg0: i32) -> (i32, i32) {
    %c0_i32 = arith.constant 0 : i32
    %c0_i32_0 = arith.constant 0 : i32
    return %arg0, %c0_i32 : i32, i32
  }
  func.func @transform_3(%arg0: i32) -> (i32, i32) {
    %c0_i32 = arith.constant 0 : i32
    %c0_i32_0 = arith.constant 0 : i32
    return %arg0, %c0_i32 : i32, i32
  }
  func.func @transform_4(%arg0: i32) -> (i32, i32) {
    %c0_i32 = arith.constant 0 : i32
    %c0_i32_0 = arith.constant 0 : i32
    return %arg0, %c0_i32 : i32, i32
  }
}

</mosaic_0001>

<sc_bundles>
// kernel: kernel.11.cloned.1.call-start
scs
__scs_entry_jumppad:
0x0: {  	(pc) =	sbr.rel $0x88, $3  }
0x1: {  	(tag) =	ssettag $0x0;
	lr =	simm.s32 $0x1  }
0x2: {  	[smem:$0x3F99] =	sst lr;
	_ =	strace $0xD0000000  }
0x3: {  	_ = 	snop  }
0x4: {  	_ = 	snop  }
0x5: {  	_ = 	snop  }
0x6: {  	_ = 	snop  }
0x7: {  	_ = 	snop  }
__scs_overlays_trampoline_lowered:
0x8: {  	[smem:$0x3FA8] =	sst s0  }
0x9: {  	[smem:$0x3FA9] =	sst s1  }
0xa: {  	[smem:$0x3FAA] =	sst s2  }
0xb: {  	[smem:$0x3FAB] =	sst s3  }
0xc: {  	[smem:$0x3FAC] =	sst s4  }
0xd: {  	[smem:$0x3FAD] =	sst s5  }
0xe: {  	[smem:$0x3FAE] =	sst s6  }
0xf: {  	[smem:$0x3FAF] =	sst s7  }
0x10: {  	[smem:$0x3FB0] =	sst s8  }
0x11: {  	[smem:$0x3FB1] =	sst s9;
	s0 =	simm.s32 @!p0 $0x0  }
0x12: {  	s1 =	sld [smem:$0x3F97];
	s0 =	simm.s32 @p0 $0x1  }
0x13: {  	[smem:$0x3FB2] =	sst s0;
	s0 =	simm.s32 @!p1 $0x0  }
0x14: {  	s2 =	sld [smem:$0x3F96];
	s0 =	simm.s32 @p1 $0x1  }
0x15: {  	[smem:$0x3FB3] =	sst s0;
	s0 =	simm.s32 @!p2 $0x0  }
0x16: {  	s3 =	sld [smem:$0x3FDB];
	s0 =	simm.s32 @p2 $0x1  }
0x17: {  	s4 =	simm.s32 $0x1BF5;
	[smem:$0x3FB5] =	sst s0  }
0x18: {  	s0 =	sld [smem:$0x3F98];
	_ =	swait.ge [sflag:s4], $0x0  }
0x19: {  	s7 =	sld [smem:$0x3F99]  }
0x1a: {  	s8 =	sadd.s32 $0xFFFFE003, lr  }
0x1b: {  	s9 =	sadd.s32 $0xFFFFFEF7, lr;
	s5 =	simm.s32 $0xFFFFFFFF;
	p2 =	slt.u32 s8, $0xFFFFF086  }
0x1c: {  	p1 =	slt.u32 s9, $0xF7A;
	s5 =	simm.s32 @!p2 $0x0  }
0x1d: {  	s5 =	simm.s32 @p1 $0x1;
	p0 =	seq.s32 s7, s2  }
0x1e: {  	s7 =	smul.u32 @!p0 $0xF7A, s2;
	p2 =	seq.s32 @!p0 s5, $0x0  }
0x1f: {  	s9 =	smul.u32 $0xF7A, s1;
	s8 =	simm.s32 @!p0 $0x1BF5;
	p2 =	por !p2, p0  }
0x20: {  	[sflag:s8] =	ssyncset.s32 @!p0 $0xFFFFF086;
	s6 =	sadd.s32 @!p0 s3, s7;
	s7 =	simm.s32 @!p0 $0x108  }
0x21: {  	s3 =	sadd.s32 s3, s9;
	s6 =	sadd.s32 @!p0 $0x88, s6;
	s7 =	simm.s32 @p2 $0x1082  }
0x22: {  	[simem:s7], [sflag:s8] =	dma.local @!p0 [hbm:s6], $0xF7A  }
0x23: {  	s9 =	sor.u32 $0xD0000000, s2;
	s6 =	simm.s32 $0x108;
	_ =	swait.ge @!p0 [sflag:s8], $0x0  }
0x24: {  	s3 =	sadd.s32 $0x88, s3;
	s6 =	simm.s32 @!p1 $0x1082;
	[sflag:s4] =	ssyncset.s32 $0xFFFFF086  }
0x25: {  	[simem:s6], [sflag:s4] =	dma.local [hbm:s3], $0xF7A  }
0x26: {  	[smem:$0x3F99] =	sst s1;
	(tag) =	ssettag s2;
	_ =	strace s9  }
0x27: {  	s1 =	sld [smem:$0x3FA9]  }
0x28: {  	s2 =	sld [smem:$0x3FAA]  }
0x29: {  	s4 =	sld [smem:$0x3FAC]  }
0x2a: {  	p0 =	seq.s32 s5, $0x0;
	s5 =	sld [smem:$0x3FAD]  }
0x2b: {  	s6 =	sld [smem:$0x3FAE]  }
0x2c: {  	s7 =	sld [smem:$0x3FAF]  }
0x2d: {  	s3 =	simm.s32 $0x108;
	s8 =	sld [smem:$0x3FB0]  }
0x2e: {  	s3 =	simm.s32 @!p0 $0x1082;
	s9 =	sld [smem:$0x3FB1]  }
0x2f: {  	lr =	sadd.s32 s0, s3;
	s0 =	sld [smem:$0x3FA8]  }
0x30: {  	s3 =	sld [smem:$0x3FAB]  }
0x31: {  	[smem:$0x3FB4] =	sst s10  }
0x32: {  	s10 =	sld [smem:$0x3FB2];
	_ =	sdelay $0x3  }
0x33: {  	p0 =	seq.s32 s10, $0x1;
	s10 =	sld [smem:$0x3FB4];
	_ =	sdelay $0x3  }
0x34: {  	[smem:$0x3FB4] =	sst s10  }
0x35: {  	s10 =	sld [smem:$0x3FB3];
	_ =	sdelay $0x3  }
0x36: {  	p1 =	seq.s32 s10, $0x1;
	s10 =	sld [smem:$0x3FB4];
	_ =	sdelay $0x3  }
0x37: {  	[smem:$0x3FB4] =	sst s10  }
0x38: {  	s10 =	sld [smem:$0x3FB5]  }
0x39: {  	_ = 	snop;
	(pc) =	sbr.ind lr, $3  }
0x3a: {  	_ = 	snop  }
0x3b: {  	_ = 	snop  }
0x3c: {  	p2 =	seq.s32 s10, $0x1;
	s10 =	sld [smem:$0x3FB4]  }
0x3d: {  	_ =	shalt  }
0x3e: {  	_ =	shalt  }
0x3f: {  	_ =	shalt  }
0x40: {  	_ =	shalt  }
0x41: {  	_ =	shalt  }
0x42: {  	_ =	shalt  }
0x43: {  	_ =	shalt  }
0x44: {  	_ =	shalt  }
0x45: {  	_ =	shalt  }
0x46: {  	_ =	shalt  }
0x47: {  	_ =	shalt  }
0x48: {  	_ =	shalt  }
0x49: {  	_ =	shalt  }
0x4a: {  	_ =	shalt  }
0x4b: {  	_ =	shalt  }
0x4c: {  	_ =	shalt  }
0x4d: {  	_ =	shalt  }
0x4e: {  	_ =	shalt  }
0x4f: {  	_ =	shalt  }
0x50: {  	_ =	shalt  }
0x51: {  	_ =	shalt  }
0x52: {  	_ =	shalt  }
0x53: {  	_ =	shalt  }
0x54: {  	_ =	shalt  }
0x55: {  	_ =	shalt  }
0x56: {  	_ =	shalt  }
0x57: {  	_ =	shalt  }
0x58: {  	_ =	shalt  }
0x59: {  	_ =	shalt  }
0x5a: {  	_ =	shalt  }
0x5b: {  	_ =	shalt  }
0x5c: {  	_ =	shalt  }
0x5d: {  	_ =	shalt  }
0x5e: {  	_ =	shalt  }
0x5f: {  	_ =	shalt  }
0x60: {  	_ =	shalt  }
0x61: {  	_ =	shalt  }
0x62: {  	_ =	shalt  }
0x63: {  	_ =	shalt  }
0x64: {  	_ =	shalt  }
0x65: {  	_ =	shalt  }
0x66: {  	_ =	shalt  }
0x67: {  	_ =	shalt  }
0x68: {  	_ =	shalt  }
0x69: {  	_ =	shalt  }
0x6a: {  	_ =	shalt  }
0x6b: {  	_ =	shalt  }
0x6c: {  	_ =	shalt  }
0x6d: {  	_ =	shalt  }
0x6e: {  	_ =	shalt  }
0x6f: {  	_ =	shalt  }
0x70: {  	_ =	shalt  }
0x71: {  	_ =	shalt  }
0x72: {  	_ =	shalt  }
0x73: {  	_ =	shalt  }
0x74: {  	_ =	shalt  }
0x75: {  	_ =	shalt  }
0x76: {  	_ =	shalt  }
0x77: {  	_ =	shalt  }
0x78: {  	_ =	shalt  }
0x79: {  	_ =	shalt  }
0x7a: {  	_ =	shalt  }
0x7b: {  	_ =	shalt  }
0x7c: {  	_ =	shalt  }
0x7d: {  	_ =	shalt  }
0x7e: {  	_ =	shalt  }
0x7f: {  	_ =	shalt  }
0x80: {  	_ =	shalt  }
0x81: {  	_ =	shalt  }
0x82: {  	_ =	shalt  }
0x83: {  	_ =	shalt  }
0x84: {  	_ =	shalt  }
0x85: {  	_ =	shalt  }
0x86: {  	_ =	shalt  }
0x87: {  	_ =	shalt  }
.Lfunc_end0:
.L_simem_size_0:
called_computation.1_lowered:
.L_overlay_start_0:
0x88: {  	s2 =	sld [smem:$0x3FD9]  }
0x89: {  	s3 =	sld [smem:$0x3FFE];
	_ =	sdelay $0x1  }
0x8a: {  	s1 =	srdreg.scid  }
0x8b: {  	s0 =	sand.u32 $0x1, s1  }
0x8c: {  	s16 =	sshll.u32 s0, $0xA;
	s2 =	sadd.s32 s3, s2  }
0x8d: {  	s2 =	sadd.s32 s2, s16  }
0x8e: {  	[smem:$0x3FC0] =	sst s2  }
0x8f: {  	_ = 	snop  }
0x90: {  	(tm) =	ssettm $0x1  }
0x91: {  	s17 =	sld [smem:$0x3FFB];
	_ =	sdelay $0x3  }
0x92: {  	_ =	strace s17  }
0x93: {  	s2 =	sld [smem:$0x3FFC];
	_ =	sdelay $0x3  }
0x94: {  	_ =	strace s2  }
0x95: {  	s2 =	sld [smem:$0x3FFD];
	_ =	sdelay $0x3  }
0x96: {  	_ =	strace s2  }
0x97: {  	_ =	strace $0x8FFFFFFF  }
0x98: {  	s18 =	sld [smem:$0x3FDB];
	_ =	sdelay $0x1  }
0x99: {  	s19 =	simm.s32 $_scs_section_size  }
0x9a: {  	s4 =	simm.s32 $_size__tile_overlayer_lowered;
	s5 =	simm.s32 $_tile_overlayer_lowered  }
0x9b: {  	s22 =	simm.s32 $0x1BFF;
	s21 =	sshll.u32 s5, $0x1;
	s2 =	sadd.s32 s19, s18  }
0x9c: {  	s6 =	simm.s32 $0x0;
	s20 =	sshll.u32 s4, $0x1;
	s4 =	sadd.s32 s21, s2  }
0x9d: {  	[timem:s6], [sflag:s22] =	dma.local [hbm:s4], s20  }
0x9e: {  	_ =	swait.ge [sflag:s22], s20  }
0x9f: {  	s3 =	ssub.s32 $0x0, s20;
	[sflag:s22] =	ssyncset.done $0x0  }
0xa0: {  	[sflag:s22] =	ssyncadd.s32 s3;
	_ =	sdelay $0x1  }
0xa1: {  	s23 =	simm.s32 $0x1B8B  }
0xa2: {  	_ =	swait.ge [sflag:s23], $0x1  }
0xa3: {  	[sflag:s23] =	ssyncset.done $0x0  }
0xa4: {  	s25 =	simm.s32 $0x1B8E;
	s24 =	sld [smem:$0x3FFE];
	[sflag:s23] =	ssyncadd.s32 $0xFFFFFFFF  }
0xa5: {  	s26 =	simm.s32 $execute0_lowered;
	[smem:$0x3FD2] =	sst s25  }
0xa6: {  	s4 =	sshll.u32 s26, $0x1;
	_ =	strace $0x80000046;
	[dreg:$0x1] =	wrdreg $0xFFFFFFFF  }
0xa7: {  	s28 =	simm.s32 $_size_execute0_lowered;
	s2 =	sadd.s32 s2, s4;
	[dreg:$0x0] =	wrdreg $0x0  }
0xa8: {  	s4 =	sshll.u32 s28, $0x1;
	[dreg:$0x2] =	wrdreg s2  }
0xa9: {  	[dreg:$0x3] =	wrdreg s4  }
0xaa: {  	[dreg:$0x4] =	wrdreg $0xC0  }
0xab: {  	_ =	task [dreg:s6], $0x5FFFF  }
0xac: {  	[dreg:$0x1] =	wrdreg $0xFFFFFFFF  }
0xad: {  	[dreg:$0x0] =	wrdreg $0x60  }
0xae: {  	[dreg:$0x2] =	wrdreg s24  }
0xaf: {  	[dreg:$0x3] =	wrdreg $0xA  }
0xb0: {  	_ =	task.clear_ibuf [dreg:s6], $0x4FFFF;
	_ =	strace $0x90000046  }
0xb1: {  	s29 =	simm.s32 $0xA;
	_ =	strace $0x80000048  }
0xb2: {  	_ =	swait.ge [sflag:s29], $0x1  }
0xb3: {  	[sflag:s29] =	ssyncadd.s32 $0xFFFFFFFF  }
0xb4: {  	_ =	strace $0x90000048  }
0xb5: {  	_ =	sfence  }
0xb6: {  	s30 =	sld [smem:$0x0];
	_ =	sdelay $0x2  }
0xb7: {  	s31 =	sshll.u32 s1, $0xD;
	s1 =	sshrl.u32 s1, $0x2  }
0xb8: {  	s3 =	sand.u32 $0x4000, s31;
	s1 =	sadd.s32 s1, s30  }
0xb9: {  	s0 =	sor.u32 s3, s0;
	s1 =	sshll.u32 s1, $0x11  }
0xba: {  	s0 =	sor.u32 s1, s0  }
0xbb: {  	s0 =	sadd.s32 $0x8F2B, s0  }
0xbc: {  	[sflag:s0] =	ssyncadd.remote.s32 $0x1  }
0xbd: {  	_ =	sfence.sel $0xFFFF  }
0xbe: {  	[dreg:$0x0] =	wrdreg $0xFFFFFFFF;
	(pc) =	sbr.abs _section_cstart, $3  }
0xbf: {  	[dreg:$0x1] =	wrdreg $0xFFFFFFFF  }
0xc0: {  	_ =	task.clear_ibuf [dreg:s6], $0x2FFFF;
	_ =	strace $0x9FFFFFFF  }
0xc1: {  	(tm) =	ssettm $0x7FFFFFFF  }
tec
execute0_lowered:
.L_overlay_start_1:
0x0: {  	(tag) =	ssettag $0x1  }
0x1: {  	s4 =	rddreg [dreg:$0x0]  }
0x2: {  	s0 =	rddreg [dreg:$0x1]  }
0x3: {  	s3 =	srdreg.scid;
	s1 =	stileid.u32;
	s2 =	simm.s32 $0x0  }
0x4: {  	s10 =	simm.s32 $0x1;
	s11 =	simm.s32 $0x0;
	s6 =	smul.u32 $0xCA80, s1  }
0x5: {  	s5 =	sand.u32 $0x1, s3;
	[smem:$0x7FF] =	sst s2;
	s8 =	smul.u32 $0xCA800, s1  }
0x6: {  	s3 =	sadd.s32 $0x1A1600, s4;
	s7 =	smul.u32 $0x6540, s5;
	s9 =	ssub.s32 $0x2, s5  }
0x7: {  	_ =	strace $0x80000047;
	s5 =	smul.u32 $0x65400, s5;
	s31 =	sshrl.u32 s9, $0x1  }
0x8: {  	s30 =	sadd.s32 s8, s4;
	s6 =	sadd.s32 s7, s6;
	s8 =	ssub.s32 s9, s31  }
0x9: {  	s5 =	sadd.s32 s5, s30;
	s7 =	simm.s32 $0x2;
	s6 =	sshrl.u32 s6, $0x3  }
0xa: {  	s9 =	simm.s32 $0x400;
	s5 =	sadd.s32 $0x328200, s5;
	s6 =	sadd.s32 s6, s4  }
0xb: {  	s4 =	smax.u32 s8, $0x1;
	s8 =	simm.s32 $0x3C0;
	s6 =	sadd.s32 $0x1400, s6  }
.LBB2_1:
0xc: {  	s12 =	sadd.s32 $0x0, s6  }
0xd: {  	[tilespmem:s2], [sflag:$0x2] =	stream.linear.gather [hbm4b:s12+s2], $0x3C0, $0x38;
	[tilespmem:$0x1E400] =	vst v63  }
0xe: {  	_ =	swait.ge [sflag:s7], $0x3C0  }
0xf: {  	[sflag:s7] =	ssyncset.done $0x0  }
0x10: {  	[sflag:s7] =	ssyncadd.s32 $0xFFFFFC40  }
0x11: {  	[tilespmem:s9], [sflag:$0x1] =	stream.indirect.gather [hbm4b:s3+s8], $0x80, s2, s8, $0xb8;
	[tilespmem:$0x1E400] =	vst v63  }
0x12: {  	_ =	swait.ge [sflag:s10], $0x1E000  }
0x13: {  	[sflag:s10] =	ssyncset.done $0x0  }
0x14: {  	[sflag:s10] =	ssyncadd.s32 $0xFFFE2000  }
0x15: {  	[hbm4b:s5+s2] =	stream.linear.scatter [tilespmem:s9], [sflag:$0x2], $0x1E000, $0x38;
	[tilespmem:$0x1E400] =	vst v63  }
0x16: {  	s13 =	simm.s32 $0x78;
	_ =	swait.ge [sflag:s7], $0x1E000  }
0x17: {  	s14 =	simm.s32 $0xF0;
	s12 =	sadd.s32 $0x3C00, s5;
	[sflag:s7] =	ssyncset.done $0x0  }
.LBB2_2:
0x18: {  	s15 =	sadd.s32 s13, s6  }
0x19: {  	[sflag:s7] =	ssyncadd.s32 $0xFFFE2000;
	s13 =	smov.u32 s14;
	s16 =	sadd.s32 $0x78, s14  }
0x1a: {  	[tilespmem:s2], [sflag:$0x2] =	stream.linear.gather [hbm4b:s15+s2], $0x3C0, $0x38;
	[tilespmem:$0x1E400] =	vst v63  }
0x1b: {  	p0 =	sne.s32 s14, $0xC30;
	_ =	swait.ge [sflag:s7], $0x3C0  }
0x1c: {  	[sflag:s7] =	ssyncset.done $0x0  }
0x1d: {  	[sflag:s7] =	ssyncadd.s32 $0xFFFFFC40  }
0x1e: {  	[tilespmem:s9], [sflag:$0x1] =	stream.indirect.gather [hbm4b:s3+s8], $0x80, s2, s8, $0xb8;
	[tilespmem:$0x1E400] =	vst v63  }
0x1f: {  	_ =	swait.ge [sflag:s10], $0x1E000  }
.Ltmp0:
0x20: {  	[sflag:s10] =	ssyncset.done $0x0;
	(pc) =	sbr.rel @p0 .LBB2_2-.Ltmp0, $4  }
0x21: {  	[sflag:s10] =	ssyncadd.s32 $0xFFFE2000  }
0x22: {  	[hbm4b:s12+s2] =	stream.linear.scatter [tilespmem:s9], [sflag:$0x2], $0x1E000, $0x38;
	[tilespmem:$0x1E400] =	vst v63  }
0x23: {  	_ =	swait.ge [sflag:s7], $0x1E000  }
0x24: {  	s14 =	smov.u32 s16;
	s12 =	sadd.s32 $0x3C00, s12;
	[sflag:s7] =	ssyncset.done $0x0  }
0x25: {  	s13 =	sadd.s32 s13, s6;
	[sflag:s7] =	ssyncadd.s32 $0xFFFE2000  }
0x26: {  	[tilespmem:s2], [sflag:$0x2] =	stream.linear.gather [hbm4b:s13+s2], $0x3C0, $0x38;
	[tilespmem:$0x1E400] =	vst v63  }
0x27: {  	_ =	swait.ge [sflag:s7], $0x3C0  }
0x28: {  	[sflag:s7] =	ssyncset.done $0x0  }
0x29: {  	[sflag:s7] =	ssyncadd.s32 $0xFFFFFC40  }
0x2a: {  	[tilespmem:s9], [sflag:$0x1] =	stream.indirect.gather [hbm4b:s3+s8], $0x80, s2, s8, $0xb8;
	[tilespmem:$0x1E400] =	vst v63  }
0x2b: {  	s11 =	sadd.s32 $0x1, s11;
	_ =	swait.ge [sflag:s10], $0x1E000  }
0x2c: {  	p0 =	sne.s32 s11, s4;
	[sflag:s10] =	ssyncset.done $0x0  }
.Ltmp1:
0x2d: {  	[sflag:s10] =	ssyncadd.s32 $0xFFFE2000;
	(pc) =	sbr.rel @p0 .LBB2_1-.Ltmp1, $4  }
0x2e: {  	[hbm4b:s12+s2] =	stream.linear.scatter [tilespmem:s9], [sflag:$0x2], $0x1E000, $0x38;
	[tilespmem:$0x1E400] =	vst v63  }
0x2f: {  	_ =	swait.ge [sflag:s7], $0x1E000  }
0x30: {  	[sflag:s7] =	ssyncset.done $0x0  }
0x31: {  	[sflag:s7] =	ssyncadd.s32 $0xFFFE2000  }
0x32: {  	_ =	sfence.sel $0x180000  }
0x33: {  	[bflag:$0x0] =	sbarrier.arrive $0xFFFF  }
0x34: {  	p0 =	sne.s32 s1, $0x0;
	_ =	strace $0x90000047  }
0x35: {  	s0 =	sadd.s32 @!p0 $0x100000, s0;
	[bflag:$0x2] =	sbarrier.arrive $0xFFFF  }
0x36: {  	[sflag:s0] =	ssyncadd.tile.s32 @!p0 $0x1;
	_ =	shalt  }
.Lfunc_end2:
_tile_overlayer_lowered:
.L_overlay_start_2:
0x37: {  	(tag) =	ssettag $0x2  }
0x38: {  	s0 =	rddreg [dreg:$0x0];
	s2 =	stileid.u32  }
0x39: {  	s1 =	rddreg [dreg:$0x1];
	p0 =	sne.s32 s2, $0x0  }
0x3a: {  	s3 =	rddreg [dreg:$0x2];
	[bflag:$0x3] =	sbarrier.arrive $0xFFFF;
	s2 =	simm.s32 @!p0 $0x1C02  }
0x3b: {  	[timem:s3], [sflag:s2] =	dma.local @!p0 [hbm:s0], s1  }
0x3c: {  	s0 =	simm.s32 @!p0 $0x2  }
0x3d: {  	_ =	swait.ge @!p0 [sflag:s0], s1  }
0x3e: {  	s1 =	ssub.s32 @!p0 $0x0, s1;
	[sflag:s0] =	ssyncset.done @!p0 $0x0  }
0x3f: {  	[sflag:s0] =	ssyncadd.s32 @!p0 s1  }
0x40: {  	[bflag:$0x3] =	sbarrier.arrive $0xFFFF  }
0x41: {  	_ =	shalt  }

// kernel: kernel.14.cloned.1.call-start
scs
__scs_entry_jumppad:
0x0: {  	(pc) =	sbr.rel $0x88, $3  }
0x1: {  	(tag) =	ssettag $0x0;
	lr =	simm.s32 $0x1  }
0x2: {  	[smem:$0x3F99] =	sst lr;
	_ =	strace $0xD0000000  }
0x3: {  	_ = 	snop  }
0x4: {  	_ = 	snop  }
0x5: {  	_ = 	snop  }
0x6: {  	_ = 	snop  }
0x7: {  	_ = 	snop  }
__scs_overlays_trampoline_lowered:
0x8: {  	[smem:$0x3FA8] =	sst s0  }
0x9: {  	[smem:$0x3FA9] =	sst s1  }
0xa: {  	[smem:$0x3FAA] =	sst s2  }
0xb: {  	[smem:$0x3FAB] =	sst s3  }
0xc: {  	[smem:$0x3FAC] =	sst s4  }
0xd: {  	[smem:$0x3FAD] =	sst s5  }
0xe: {  	[smem:$0x3FAE] =	sst s6  }
0xf: {  	[smem:$0x3FAF] =	sst s7  }
0x10: {  	[smem:$0x3FB0] =	sst s8  }
0x11: {  	[smem:$0x3FB1] =	sst s9;
	s0 =	simm.s32 @!p0 $0x0  }
0x12: {  	s1 =	sld [smem:$0x3F97];
	s0 =	simm.s32 @p0 $0x1  }
0x13: {  	[smem:$0x3FB2] =	sst s0;
	s0 =	simm.s32 @!p1 $0x0  }
0x14: {  	s2 =	sld [smem:$0x3F96];
	s0 =	simm.s32 @p1 $0x1  }
0x15: {  	[smem:$0x3FB3] =	sst s0;
	s0 =	simm.s32 @!p2 $0x0  }
0x16: {  	s3 =	sld [smem:$0x3FDB];
	s0 =	simm.s32 @p2 $0x1  }
0x17: {  	s4 =	simm.s32 $0x1BF5;
	[smem:$0x3FB5] =	sst s0  }
0x18: {  	s0 =	sld [smem:$0x3F98];
	_ =	swait.ge [sflag:s4], $0x0  }
0x19: {  	s7 =	sld [smem:$0x3F99]  }
0x1a: {  	s8 =	sadd.s32 $0xFFFFE003, lr  }
0x1b: {  	s9 =	sadd.s32 $0xFFFFFEF7, lr;
	s5 =	simm.s32 $0xFFFFFFFF;
	p2 =	slt.u32 s8, $0xFFFFF086  }
0x1c: {  	p1 =	slt.u32 s9, $0xF7A;
	s5 =	simm.s32 @!p2 $0x0  }
0x1d: {  	s5 =	simm.s32 @p1 $0x1;
	p0 =	seq.s32 s7, s2  }
0x1e: {  	s7 =	smul.u32 @!p0 $0xF7A, s2;
	p2 =	seq.s32 @!p0 s5, $0x0  }
0x1f: {  	s9 =	smul.u32 $0xF7A, s1;
	s8 =	simm.s32 @!p0 $0x1BF5;
	p2 =	por !p2, p0  }
0x20: {  	[sflag:s8] =	ssyncset.s32 @!p0 $0xFFFFF086;
	s6 =	sadd.s32 @!p0 s3, s7;
	s7 =	simm.s32 @!p0 $0x108  }
0x21: {  	s3 =	sadd.s32 s3, s9;
	s6 =	sadd.s32 @!p0 $0x88, s6;
	s7 =	simm.s32 @p2 $0x1082  }
0x22: {  	[simem:s7], [sflag:s8] =	dma.local @!p0 [hbm:s6], $0xF7A  }
0x23: {  	s9 =	sor.u32 $0xD0000000, s2;
	s6 =	simm.s32 $0x108;
	_ =	swait.ge @!p0 [sflag:s8], $0x0  }
0x24: {  	s3 =	sadd.s32 $0x88, s3;
	s6 =	simm.s32 @!p1 $0x1082;
	[sflag:s4] =	ssyncset.s32 $0xFFFFF086  }
0x25: {  	[simem:s6], [sflag:s4] =	dma.local [hbm:s3], $0xF7A  }
0x26: {  	[smem:$0x3F99] =	sst s1;
	(tag) =	ssettag s2;
	_ =	strace s9  }
0x27: {  	s1 =	sld [smem:$0x3FA9]  }
0x28: {  	s2 =	sld [smem:$0x3FAA]  }
0x29: {  	s4 =	sld [smem:$0x3FAC]  }
0x2a: {  	p0 =	seq.s32 s5, $0x0;
	s5 =	sld [smem:$0x3FAD]  }
0x2b: {  	s6 =	sld [smem:$0x3FAE]  }
0x2c: {  	s7 =	sld [smem:$0x3FAF]  }
0x2d: {  	s3 =	simm.s32 $0x108;
	s8 =	sld [smem:$0x3FB0]  }
0x2e: {  	s3 =	simm.s32 @!p0 $0x1082;
	s9 =	sld [smem:$0x3FB1]  }
0x2f: {  	lr =	sadd.s32 s0, s3;
	s0 =	sld [smem:$0x3FA8]  }
0x30: {  	s3 =	sld [smem:$0x3FAB]  }
0x31: {  	[smem:$0x3FB4] =	sst s10  }
0x32: {  	s10 =	sld [smem:$0x3FB2];
	_ =	sdelay $0x3  }
0x33: {  	p0 =	seq.s32 s10, $0x1;
	s10 =	sld [smem:$0x3FB4];
	_ =	sdelay $0x3  }
0x34: {  	[smem:$0x3FB4] =	sst s10  }
0x35: {  	s10 =	sld [smem:$0x3FB3];
	_ =	sdelay $0x3  }
0x36: {  	p1 =	seq.s32 s10, $0x1;
	s10 =	sld [smem:$0x3FB4];
	_ =	sdelay $0x3  }
0x37: {  	[smem:$0x3FB4] =	sst s10  }
0x38: {  	s10 =	sld [smem:$0x3FB5]  }
0x39: {  	_ = 	snop;
	(pc) =	sbr.ind lr, $3  }
0x3a: {  	_ = 	snop  }
0x3b: {  	_ = 	snop  }
0x3c: {  	p2 =	seq.s32 s10, $0x1;
	s10 =	sld [smem:$0x3FB4]  }
0x3d: {  	_ =	shalt  }
0x3e: {  	_ =	shalt  }
0x3f: {  	_ =	shalt  }
0x40: {  	_ =	shalt  }
0x41: {  	_ =	shalt  }
0x42: {  	_ =	shalt  }
0x43: {  	_ =	shalt  }
0x44: {  	_ =	shalt  }
0x45: {  	_ =	shalt  }
0x46: {  	_ =	shalt  }
0x47: {  	_ =	shalt  }
0x48: {  	_ =	shalt  }
0x49: {  	_ =	shalt  }
0x4a: {  	_ =	shalt  }
0x4b: {  	_ =	shalt  }
0x4c: {  	_ =	shalt  }
0x4d: {  	_ =	shalt  }
0x4e: {  	_ =	shalt  }
0x4f: {  	_ =	shalt  }
0x50: {  	_ =	shalt  }
0x51: {  	_ =	shalt  }
0x52: {  	_ =	shalt  }
0x53: {  	_ =	shalt  }
0x54: {  	_ =	shalt  }
0x55: {  	_ =	shalt  }
0x56: {  	_ =	shalt  }
0x57: {  	_ =	shalt  }
0x58: {  	_ =	shalt  }
0x59: {  	_ =	shalt  }
0x5a: {  	_ =	shalt  }
0x5b: {  	_ =	shalt  }
0x5c: {  	_ =	shalt  }
0x5d: {  	_ =	shalt  }
0x5e: {  	_ =	shalt  }
0x5f: {  	_ =	shalt  }
0x60: {  	_ =	shalt  }
0x61: {  	_ =	shalt  }
0x62: {  	_ =	shalt  }
0x63: {  	_ =	shalt  }
0x64: {  	_ =	shalt  }
0x65: {  	_ =	shalt  }
0x66: {  	_ =	shalt  }
0x67: {  	_ =	shalt  }
0x68: {  	_ =	shalt  }
0x69: {  	_ =	shalt  }
0x6a: {  	_ =	shalt  }
0x6b: {  	_ =	shalt  }
0x6c: {  	_ =	shalt  }
0x6d: {  	_ =	shalt  }
0x6e: {  	_ =	shalt  }
0x6f: {  	_ =	shalt  }
0x70: {  	_ =	shalt  }
0x71: {  	_ =	shalt  }
0x72: {  	_ =	shalt  }
0x73: {  	_ =	shalt  }
0x74: {  	_ =	shalt  }
0x75: {  	_ =	shalt  }
0x76: {  	_ =	shalt  }
0x77: {  	_ =	shalt  }
0x78: {  	_ =	shalt  }
0x79: {  	_ =	shalt  }
0x7a: {  	_ =	shalt  }
0x7b: {  	_ =	shalt  }
0x7c: {  	_ =	shalt  }
0x7d: {  	_ =	shalt  }
0x7e: {  	_ =	shalt  }
0x7f: {  	_ =	shalt  }
0x80: {  	_ =	shalt  }
0x81: {  	_ =	shalt  }
0x82: {  	_ =	shalt  }
0x83: {  	_ =	shalt  }
0x84: {  	_ =	shalt  }
0x85: {  	_ =	shalt  }
0x86: {  	_ =	shalt  }
0x87: {  	_ =	shalt  }
.Lfunc_end0:
.L_simem_size_0:
called_computation.2_lowered:
.L_overlay_start_0:
0x88: {  	s2 =	sld [smem:$0x3FD9]  }
0x89: {  	s3 =	sld [smem:$0x3FFE];
	_ =	sdelay $0x1  }
0x8a: {  	s1 =	srdreg.scid  }
0x8b: {  	s0 =	sand.u32 $0x1, s1  }
0x8c: {  	s16 =	sshll.u32 s0, $0xA;
	s2 =	sadd.s32 s3, s2  }
0x8d: {  	s2 =	sadd.s32 s2, s16  }
0x8e: {  	[smem:$0x3FC0] =	sst s2  }
0x8f: {  	_ = 	snop  }
0x90: {  	(tm) =	ssettm $0x1  }
0x91: {  	s17 =	sld [smem:$0x3FFB];
	_ =	sdelay $0x3  }
0x92: {  	_ =	strace s17  }
0x93: {  	s2 =	sld [smem:$0x3FFC];
	_ =	sdelay $0x3  }
0x94: {  	_ =	strace s2  }
0x95: {  	s2 =	sld [smem:$0x3FFD];
	_ =	sdelay $0x3  }
0x96: {  	_ =	strace s2  }
0x97: {  	_ =	strace $0x8FFFFFFF  }
0x98: {  	s18 =	sld [smem:$0x3FDB];
	_ =	sdelay $0x1  }
0x99: {  	s19 =	simm.s32 $_scs_section_size  }
0x9a: {  	s4 =	simm.s32 $_size__tile_overlayer_lowered;
	s5 =	simm.s32 $_tile_overlayer_lowered  }
0x9b: {  	s22 =	simm.s32 $0x1BFF;
	s21 =	sshll.u32 s5, $0x1;
	s2 =	sadd.s32 s19, s18  }
0x9c: {  	s6 =	simm.s32 $0x0;
	s20 =	sshll.u32 s4, $0x1;
	s4 =	sadd.s32 s21, s2  }
0x9d: {  	[timem:s6], [sflag:s22] =	dma.local [hbm:s4], s20  }
0x9e: {  	_ =	swait.ge [sflag:s22], s20  }
0x9f: {  	s3 =	ssub.s32 $0x0, s20;
	[sflag:s22] =	ssyncset.done $0x0  }
0xa0: {  	[sflag:s22] =	ssyncadd.s32 s3;
	_ =	sdelay $0x1  }
0xa1: {  	s23 =	simm.s32 $0x1B8B  }
0xa2: {  	_ =	swait.ge [sflag:s23], $0x1  }
0xa3: {  	[sflag:s23] =	ssyncset.done $0x0  }
0xa4: {  	s25 =	simm.s32 $0x1B8E;
	s24 =	sld [smem:$0x3FFE];
	[sflag:s23] =	ssyncadd.s32 $0xFFFFFFFF  }
0xa5: {  	s26 =	simm.s32 $execute0_lowered;
	[smem:$0x3FD2] =	sst s25  }
0xa6: {  	s4 =	sshll.u32 s26, $0x1;
	_ =	strace $0x8000004C;
	[dreg:$0x1] =	wrdreg $0xFFFFFFFF  }
0xa7: {  	s28 =	simm.s32 $_size_execute0_lowered;
	s2 =	sadd.s32 s2, s4;
	[dreg:$0x0] =	wrdreg $0x0  }
0xa8: {  	s4 =	sshll.u32 s28, $0x1;
	[dreg:$0x2] =	wrdreg s2  }
0xa9: {  	[dreg:$0x3] =	wrdreg s4  }
0xaa: {  	[dreg:$0x4] =	wrdreg $0xC0  }
0xab: {  	_ =	task [dreg:s6], $0x5FFFF  }
0xac: {  	[dreg:$0x1] =	wrdreg $0xFFFFFFFF  }
0xad: {  	[dreg:$0x0] =	wrdreg $0x60  }
0xae: {  	[dreg:$0x2] =	wrdreg s24  }
0xaf: {  	[dreg:$0x3] =	wrdreg $0x9  }
0xb0: {  	_ =	task.clear_ibuf [dreg:s6], $0x4FFFF;
	_ =	strace $0x9000004C  }
0xb1: {  	s29 =	simm.s32 $0x9;
	_ =	strace $0x8000004E  }
0xb2: {  	_ =	swait.ge [sflag:s29], $0x1  }
0xb3: {  	[sflag:s29] =	ssyncadd.s32 $0xFFFFFFFF  }
0xb4: {  	_ =	strace $0x9000004E  }
0xb5: {  	_ =	sfence  }
0xb6: {  	s30 =	sld [smem:$0x0];
	_ =	sdelay $0x2  }
0xb7: {  	s31 =	sshll.u32 s1, $0xD;
	s1 =	sshrl.u32 s1, $0x2  }
0xb8: {  	s3 =	sand.u32 $0x4000, s31;
	s1 =	sadd.s32 s1, s30  }
0xb9: {  	s0 =	sor.u32 s3, s0;
	s1 =	sshll.u32 s1, $0x11  }
0xba: {  	s0 =	sor.u32 s1, s0  }
0xbb: {  	s0 =	sadd.s32 $0x8F2B, s0  }
0xbc: {  	[sflag:s0] =	ssyncadd.remote.s32 $0x1  }
0xbd: {  	_ =	sfence.sel $0xFFFF  }
0xbe: {  	[dreg:$0x0] =	wrdreg $0xFFFFFFFF;
	(pc) =	sbr.abs _section_cstart, $3  }
0xbf: {  	[dreg:$0x1] =	wrdreg $0xFFFFFFFF  }
0xc0: {  	_ =	task.clear_ibuf [dreg:s6], $0x2FFFF;
	_ =	strace $0x9FFFFFFF  }
0xc1: {  	(tm) =	ssettm $0x7FFFFFFF  }
tec
execute0_lowered:
.L_overlay_start_1:
0x0: {  	(tag) =	ssettag $0x1  }
0x1: {  	s1 =	srdreg.scid;
	s0 =	stileid.u32  }
0x2: {  	s15 =	sand.u32 $0x1, s1;
	s28 =	sshll.u32 s0, $0x1  }
0x3: {  	s9 =	sor.u32 s15, s28  }
0x4: {  	s10 =	rddreg [dreg:$0x0];
	s14 =	smul.u32 $0xF00, s9  }
0x5: {  	s2 =	simm.s32 $0x0;
	s1 =	rddreg [dreg:$0x1]  }
0x6: {  	[smem:$0x7FF] =	sst s2;
	s16 =	sadd.s32 $0x1AA00, s10;
	s3 =	sshrl.u32 s14, $0x3  }
0x7: {  	_ =	strace $0x8000004D;
	s4 =	sadd.s32 s16, s3;
	s3 =	simm.s32 $0x2  }
0x8: {  	[tilespmem:s2], [sflag:$0x2] =	stream.linear.gather [hbm4b:s4+s2], $0x3C0, $0x38;
	[tilespmem:$0x1E400] =	vst v63  }
0x9: {  	_ =	swait.ge [sflag:s3], $0x3C0  }
0xa: {  	s6 =	simm.s32 $0x3C0;
	s7 =	simm.s32 $0x400;
	[sflag:s3] =	ssyncset.done $0x0  }
0xb: {  	s8 =	simm.s32 $0x1;
	s5 =	sadd.s32 $0x1C78200, s10;
	[sflag:s3] =	ssyncadd.s32 $0xFFFFFC40  }
0xc: {  	[tilespmem:s7], [sflag:$0x1] =	stream.indirect.gather [hbm4b:s5+s6], $0x80, s2, s6, $0xb8;
	[tilespmem:$0x1E400] =	vst v63  }
0xd: {  	s9 =	smul.u32 $0xF000, s9;
	_ =	swait.ge [sflag:s8], $0x1E000  }
0xe: {  	s17 =	sadd.s32 $0x1E600, s10;
	[sflag:s8] =	ssyncset.done $0x0  }
0xf: {  	s9 =	sadd.s32 s17, s9;
	[sflag:s8] =	ssyncadd.s32 $0xFFFE2000  }
0x10: {  	[hbm4b:s9+s2] =	stream.linear.scatter [tilespmem:s7], [sflag:$0x2], $0x1E000, $0x38;
	[tilespmem:$0x1E400] =	vst v63  }
0x11: {  	s11 =	sadd.s32 $0x3C0, s14;
	_ =	swait.ge [sflag:s3], $0x1E000  }
0x12: {  	s29 =	sshrl.u32 s11, $0x3;
	[sflag:s3] =	ssyncset.done $0x0  }
0x13: {  	s10 =	sadd.s32 s16, s29;
	[sflag:s3] =	ssyncadd.s32 $0xFFFE2000  }
0x14: {  	[tilespmem:s2], [sflag:$0x2] =	stream.linear.gather [hbm4b:s10+s2], $0x3C0, $0x38;
	[tilespmem:$0x1E400] =	vst v63  }
0x15: {  	_ =	swait.ge [sflag:s3], $0x3C0  }
0x16: {  	[sflag:s3] =	ssyncset.done $0x0  }
0x17: {  	[sflag:s3] =	ssyncadd.s32 $0xFFFFFC40  }
0x18: {  	[tilespmem:s7], [sflag:$0x1] =	stream.indirect.gather [hbm4b:s5+s6], $0x80, s2, s6, $0xb8;
	[tilespmem:$0x1E400] =	vst v63  }
0x19: {  	_ =	swait.ge [sflag:s8], $0x1E000  }
0x1a: {  	s11 =	sshll.u32 s11, $0x4;
	[sflag:s8] =	ssyncset.done $0x0  }
0x1b: {  	s11 =	sadd.s32 s17, s11;
	[sflag:s8] =	ssyncadd.s32 $0xFFFE2000  }
0x1c: {  	[hbm4b:s11+s2] =	stream.linear.scatter [tilespmem:s7], [sflag:$0x2], $0x1E000, $0x38;
	[tilespmem:$0x1E400] =	vst v63  }
0x1d: {  	s13 =	sadd.s32 $0x780, s14;
	_ =	swait.ge [sflag:s3], $0x1E000  }
0x1e: {  	s12 =	sshrl.u32 s13, $0x3;
	[sflag:s3] =	ssyncset.done $0x0  }
0x1f: {  	s12 =	sadd.s32 s16, s12;
	[sflag:s3] =	ssyncadd.s32 $0xFFFE2000  }
0x20: {  	[tilespmem:s2], [sflag:$0x2] =	stream.linear.gather [hbm4b:s12+s2], $0x3C0, $0x38;
	[tilespmem:$0x1E400] =	vst v63  }
0x21: {  	_ =	swait.ge [sflag:s3], $0x3C0  }
0x22: {  	[sflag:s3] =	ssyncset.done $0x0  }
0x23: {  	[sflag:s3] =	ssyncadd.s32 $0xFFFFFC40  }
0x24: {  	[tilespmem:s7], [sflag:$0x1] =	stream.indirect.gather [hbm4b:s5+s6], $0x80, s2, s6, $0xb8;
	[tilespmem:$0x1E400] =	vst v63  }
0x25: {  	_ =	swait.ge [sflag:s8], $0x1E000  }
0x26: {  	s13 =	sshll.u32 s13, $0x4;
	[sflag:s8] =	ssyncset.done $0x0  }
0x27: {  	s13 =	sadd.s32 s17, s13;
	[sflag:s8] =	ssyncadd.s32 $0xFFFE2000  }
0x28: {  	[hbm4b:s13+s2] =	stream.linear.scatter [tilespmem:s7], [sflag:$0x2], $0x1E000, $0x38;
	[tilespmem:$0x1E400] =	vst v63  }
0x29: {  	s18 =	sadd.s32 $0xB40, s14;
	_ =	swait.ge [sflag:s3], $0x1E000  }
0x2a: {  	s14 =	sshrl.u32 s18, $0x3;
	[sflag:s3] =	ssyncset.done $0x0  }
0x2b: {  	s15 =	ssub.s32 $0x2, s15;
	s14 =	sadd.s32 s16, s14;
	[sflag:s3] =	ssyncadd.s32 $0xFFFE2000  }
0x2c: {  	[tilespmem:s2], [sflag:$0x2] =	stream.linear.gather [hbm4b:s14+s2], $0x3C0, $0x38;
	[tilespmem:$0x1E400] =	vst v63  }
0x2d: {  	s30 =	sshrl.u32 s15, $0x1;
	_ =	swait.ge [sflag:s3], $0x3C0  }
0x2e: {  	s16 =	ssub.s32 s15, s30;
	[sflag:s3] =	ssyncset.done $0x0  }
0x2f: {  	s16 =	smax.u32 s16, $0x1;
	[sflag:s3] =	ssyncadd.s32 $0xFFFFFC40  }
0x30: {  	[tilespmem:s7], [sflag:$0x1] =	stream.indirect.gather [hbm4b:s5+s6], $0x80, s2, s6, $0xb8;
	[tilespmem:$0x1E400] =	vst v63  }
0x31: {  	p0 =	sne.s32 s16, $0x1;
	_ =	swait.ge [sflag:s8], $0x1E000  }
.Ltmp0:
0x32: {  	s31 =	sshll.u32 s18, $0x4;
	[sflag:s8] =	ssyncset.done $0x0;
	(pc) =	sbr.rel @!p0 .LBB2_2-.Ltmp0, $4  }
0x33: {  	s15 =	sadd.s32 s17, s31;
	[sflag:s8] =	ssyncadd.s32 $0xFFFE2000  }
0x34: {  	[hbm4b:s15+s2] =	stream.linear.scatter [tilespmem:s7], [sflag:$0x2], $0x1E000, $0x38;
	[tilespmem:$0x1E400] =	vst v63  }
0x35: {  	_ =	swait.ge [sflag:s3], $0x1E000  }
0x36: {  	s16 =	sadd.s32 $0xFFFFFFFF, s16;
	[sflag:s3] =	ssyncset.done $0x0  }
.LBB2_1:
0x37: {  	p0 =	sne.s32 s16, $0x1;
	s16 =	sadd.s32 $0xFFFFFFFF, s16;
	[sflag:s3] =	ssyncadd.s32 $0xFFFE2000  }
0x38: {  	[tilespmem:s2], [sflag:$0x2] =	stream.linear.gather [hbm4b:s4+s2], $0x3C0, $0x38;
	[tilespmem:$0x1E400] =	vst v63  }
0x39: {  	_ =	swait.ge [sflag:s3], $0x3C0  }
0x3a: {  	[sflag:s3] =	ssyncset.done $0x0  }
0x3b: {  	[sflag:s3] =	ssyncadd.s32 $0xFFFFFC40  }
0x3c: {  	[tilespmem:s7], [sflag:$0x1] =	stream.indirect.gather [hbm4b:s5+s6], $0x80, s2, s6, $0xb8;
	[tilespmem:$0x1E400] =	vst v63  }
0x3d: {  	_ =	swait.ge [sflag:s8], $0x1E000  }
0x3e: {  	[sflag:s8] =	ssyncset.done $0x0  }
0x3f: {  	[sflag:s8] =	ssyncadd.s32 $0xFFFE2000  }
0x40: {  	[hbm4b:s9+s2] =	stream.linear.scatter [tilespmem:s7], [sflag:$0x2], $0x1E000, $0x38;
	[tilespmem:$0x1E400] =	vst v63  }
0x41: {  	_ =	swait.ge [sflag:s3], $0x1E000  }
0x42: {  	[sflag:s3] =	ssyncset.done $0x0  }
0x43: {  	[sflag:s3] =	ssyncadd.s32 $0xFFFE2000  }
0x44: {  	[tilespmem:s2], [sflag:$0x2] =	stream.linear.gather [hbm4b:s10+s2], $0x3C0, $0x38;
	[tilespmem:$0x1E400] =	vst v63  }
0x45: {  	_ =	swait.ge [sflag:s3], $0x3C0  }
0x46: {  	[sflag:s3] =	ssyncset.done $0x0  }
0x47: {  	[sflag:s3] =	ssyncadd.s32 $0xFFFFFC40  }
0x48: {  	[tilespmem:s7], [sflag:$0x1] =	stream.indirect.gather [hbm4b:s5+s6], $0x80, s2, s6, $0xb8;
	[tilespmem:$0x1E400] =	vst v63  }
0x49: {  	_ =	swait.ge [sflag:s8], $0x1E000  }
0x4a: {  	[sflag:s8] =	ssyncset.done $0x0  }
0x4b: {  	[sflag:s8] =	ssyncadd.s32 $0xFFFE2000  }
0x4c: {  	[hbm4b:s11+s2] =	stream.linear.scatter [tilespmem:s7], [sflag:$0x2], $0x1E000, $0x38;
	[tilespmem:$0x1E400] =	vst v63  }
0x4d: {  	_ =	swait.ge [sflag:s3], $0x1E000  }
0x4e: {  	[sflag:s3] =	ssyncset.done $0x0  }
0x4f: {  	[sflag:s3] =	ssyncadd.s32 $0xFFFE2000  }
0x50: {  	[tilespmem:s2], [sflag:$0x2] =	stream.linear.gather [hbm4b:s12+s2], $0x3C0, $0x38;
	[tilespmem:$0x1E400] =	vst v63  }
0x51: {  	_ =	swait.ge [sflag:s3], $0x3C0  }
0x52: {  	[sflag:s3] =	ssyncset.done $0x0  }
0x53: {  	[sflag:s3] =	ssyncadd.s32 $0xFFFFFC40  }
0x54: {  	[tilespmem:s7], [sflag:$0x1] =	stream.indirect.gather [hbm4b:s5+s6], $0x80, s2, s6, $0xb8;
	[tilespmem:$0x1E400] =	vst v63  }
0x55: {  	_ =	swait.ge [sflag:s8], $0x1E000  }
0x56: {  	[sflag:s8] =	ssyncset.done $0x0  }
0x57: {  	[sflag:s8] =	ssyncadd.s32 $0xFFFE2000  }
0x58: {  	[hbm4b:s13+s2] =	stream.linear.scatter [tilespmem:s7], [sflag:$0x2], $0x1E000, $0x38;
	[tilespmem:$0x1E400] =	vst v63  }
0x59: {  	_ =	swait.ge [sflag:s3], $0x1E000  }
0x5a: {  	[sflag:s3] =	ssyncset.done $0x0  }
0x5b: {  	[sflag:s3] =	ssyncadd.s32 $0xFFFE2000  }
0x5c: {  	[tilespmem:s2], [sflag:$0x2] =	stream.linear.gather [hbm4b:s14+s2], $0x3C0, $0x38;
	[tilespmem:$0x1E400] =	vst v63  }
0x5d: {  	_ =	swait.ge [sflag:s3], $0x3C0  }
0x5e: {  	[sflag:s3] =	ssyncset.done $0x0  }
0x5f: {  	[sflag:s3] =	ssyncadd.s32 $0xFFFFFC40  }
0x60: {  	[tilespmem:s7], [sflag:$0x1] =	stream.indirect.gather [hbm4b:s5+s6], $0x80, s2, s6, $0xb8;
	[tilespmem:$0x1E400] =	vst v63  }
0x61: {  	_ =	swait.ge [sflag:s8], $0x1E000  }
.Ltmp1:
0x62: {  	[sflag:s8] =	ssyncset.done $0x0;
	(pc) =	sbr.rel @p0 .LBB2_1-.Ltmp1, $4  }
0x63: {  	[sflag:s8] =	ssyncadd.s32 $0xFFFE2000  }
0x64: {  	[hbm4b:s15+s2] =	stream.linear.scatter [tilespmem:s7], [sflag:$0x2], $0x1E000, $0x38;
	[tilespmem:$0x1E400] =	vst v63  }
0x65: {  	_ =	swait.ge [sflag:s3], $0x1E000  }
0x66: {  	[sflag:s3] =	ssyncset.done $0x0  }
.LBB2_2:
0x67: {  	[sflag:s3] =	ssyncadd.s32 $0xFFFE2000  }
0x68: {  	_ =	sfence.sel $0x180000  }
0x69: {  	[bflag:$0x0] =	sbarrier.arrive $0xFFFF  }
0x6a: {  	p0 =	sne.s32 s0, $0x0;
	_ =	strace $0x9000004D  }
0x6b: {  	s0 =	sadd.s32 @!p0 $0x100000, s1;
	[bflag:$0x2] =	sbarrier.arrive $0xFFFF  }
0x6c: {  	[sflag:s0] =	ssyncadd.tile.s32 @!p0 $0x1;
	_ =	shalt  }
.Lfunc_end2:
_tile_overlayer_lowered:
.L_overlay_start_2:
0x6d: {  	(tag) =	ssettag $0x2  }
0x6e: {  	s0 =	rddreg [dreg:$0x0];
	s2 =	stileid.u32  }
0x6f: {  	s1 =	rddreg [dreg:$0x1];
	p0 =	sne.s32 s2, $0x0  }
0x70: {  	s3 =	rddreg [dreg:$0x2];
	[bflag:$0x3] =	sbarrier.arrive $0xFFFF;
	s2 =	simm.s32 @!p0 $0x1C02  }
0x71: {  	[timem:s3], [sflag:s2] =	dma.local @!p0 [hbm:s0], s1  }
0x72: {  	s0 =	simm.s32 @!p0 $0x2  }
0x73: {  	_ =	swait.ge @!p0 [sflag:s0], s1  }
0x74: {  	s1 =	ssub.s32 @!p0 $0x0, s1;
	[sflag:s0] =	ssyncset.done @!p0 $0x0  }
0x75: {  	[sflag:s0] =	ssyncadd.s32 @!p0 s1  }
0x76: {  	[bflag:$0x3] =	sbarrier.arrive $0xFFFF  }
0x77: {  	_ =	shalt  }

// kernel: kernel.8.cloned.1.call-start
scs
__scs_entry_jumppad:
0x0: {  	(pc) =	sbr.rel $0x88, $3  }
0x1: {  	(tag) =	ssettag $0x0;
	lr =	simm.s32 $0x1  }
0x2: {  	[smem:$0x3F99] =	sst lr;
	_ =	strace $0xD0000000  }
0x3: {  	_ = 	snop  }
0x4: {  	_ = 	snop  }
0x5: {  	_ = 	snop  }
0x6: {  	_ = 	snop  }
0x7: {  	_ = 	snop  }
__scs_overlays_trampoline_lowered:
0x8: {  	[smem:$0x3FA8] =	sst s0  }
0x9: {  	[smem:$0x3FA9] =	sst s1  }
0xa: {  	[smem:$0x3FAA] =	sst s2  }
0xb: {  	[smem:$0x3FAB] =	sst s3  }
0xc: {  	[smem:$0x3FAC] =	sst s4  }
0xd: {  	[smem:$0x3FAD] =	sst s5  }
0xe: {  	[smem:$0x3FAE] =	sst s6  }
0xf: {  	[smem:$0x3FAF] =	sst s7  }
0x10: {  	[smem:$0x3FB0] =	sst s8  }
0x11: {  	[smem:$0x3FB1] =	sst s9;
	s0 =	simm.s32 @!p0 $0x0  }
0x12: {  	s1 =	sld [smem:$0x3F97];
	s0 =	simm.s32 @p0 $0x1  }
0x13: {  	[smem:$0x3FB2] =	sst s0;
	s0 =	simm.s32 @!p1 $0x0  }
0x14: {  	s2 =	sld [smem:$0x3F96];
	s0 =	simm.s32 @p1 $0x1  }
0x15: {  	[smem:$0x3FB3] =	sst s0;
	s0 =	simm.s32 @!p2 $0x0  }
0x16: {  	s3 =	sld [smem:$0x3FDB];
	s0 =	simm.s32 @p2 $0x1  }
0x17: {  	s4 =	simm.s32 $0x1BF5;
	[smem:$0x3FB5] =	sst s0  }
0x18: {  	s0 =	sld [smem:$0x3F98];
	_ =	swait.ge [sflag:s4], $0x0  }
0x19: {  	s7 =	sld [smem:$0x3F99]  }
0x1a: {  	s8 =	sadd.s32 $0xFFFFE003, lr  }
0x1b: {  	s9 =	sadd.s32 $0xFFFFFEF7, lr;
	s5 =	simm.s32 $0xFFFFFFFF;
	p2 =	slt.u32 s8, $0xFFFFF086  }
0x1c: {  	p1 =	slt.u32 s9, $0xF7A;
	s5 =	simm.s32 @!p2 $0x0  }
0x1d: {  	s5 =	simm.s32 @p1 $0x1;
	p0 =	seq.s32 s7, s2  }
0x1e: {  	s7 =	smul.u32 @!p0 $0xF7A, s2;
	p2 =	seq.s32 @!p0 s5, $0x0  }
0x1f: {  	s9 =	smul.u32 $0xF7A, s1;
	s8 =	simm.s32 @!p0 $0x1BF5;
	p2 =	por !p2, p0  }
0x20: {  	[sflag:s8] =	ssyncset.s32 @!p0 $0xFFFFF086;
	s6 =	sadd.s32 @!p0 s3, s7;
	s7 =	simm.s32 @!p0 $0x108  }
0x21: {  	s3 =	sadd.s32 s3, s9;
	s6 =	sadd.s32 @!p0 $0x88, s6;
	s7 =	simm.s32 @p2 $0x1082  }
0x22: {  	[simem:s7], [sflag:s8] =	dma.local @!p0 [hbm:s6], $0xF7A  }
0x23: {  	s9 =	sor.u32 $0xD0000000, s2;
	s6 =	simm.s32 $0x108;
	_ =	swait.ge @!p0 [sflag:s8], $0x0  }
0x24: {  	s3 =	sadd.s32 $0x88, s3;
	s6 =	simm.s32 @!p1 $0x1082;
	[sflag:s4] =	ssyncset.s32 $0xFFFFF086  }
0x25: {  	[simem:s6], [sflag:s4] =	dma.local [hbm:s3], $0xF7A  }
0x26: {  	[smem:$0x3F99] =	sst s1;
	(tag) =	ssettag s2;
	_ =	strace s9  }
0x27: {  	s1 =	sld [smem:$0x3FA9]  }
0x28: {  	s2 =	sld [smem:$0x3FAA]  }
0x29: {  	s4 =	sld [smem:$0x3FAC]  }
0x2a: {  	p0 =	seq.s32 s5, $0x0;
	s5 =	sld [smem:$0x3FAD]  }
0x2b: {  	s6 =	sld [smem:$0x3FAE]  }
0x2c: {  	s7 =	sld [smem:$0x3FAF]  }
0x2d: {  	s3 =	simm.s32 $0x108;
	s8 =	sld [smem:$0x3FB0]  }
0x2e: {  	s3 =	simm.s32 @!p0 $0x1082;
	s9 =	sld [smem:$0x3FB1]  }
0x2f: {  	lr =	sadd.s32 s0, s3;
	s0 =	sld [smem:$0x3FA8]  }
0x30: {  	s3 =	sld [smem:$0x3FAB]  }
0x31: {  	[smem:$0x3FB4] =	sst s10  }
0x32: {  	s10 =	sld [smem:$0x3FB2];
	_ =	sdelay $0x3  }
0x33: {  	p0 =	seq.s32 s10, $0x1;
	s10 =	sld [smem:$0x3FB4];
	_ =	sdelay $0x3  }
0x34: {  	[smem:$0x3FB4] =	sst s10  }
0x35: {  	s10 =	sld [smem:$0x3FB3];
	_ =	sdelay $0x3  }
0x36: {  	p1 =	seq.s32 s10, $0x1;
	s10 =	sld [smem:$0x3FB4];
	_ =	sdelay $0x3  }
0x37: {  	[smem:$0x3FB4] =	sst s10  }
0x38: {  	s10 =	sld [smem:$0x3FB5]  }
0x39: {  	_ = 	snop;
	(pc) =	sbr.ind lr, $3  }
0x3a: {  	_ = 	snop  }
0x3b: {  	_ = 	snop  }
0x3c: {  	p2 =	seq.s32 s10, $0x1;
	s10 =	sld [smem:$0x3FB4]  }
0x3d: {  	_ =	shalt  }
0x3e: {  	_ =	shalt  }
0x3f: {  	_ =	shalt  }
0x40: {  	_ =	shalt  }
0x41: {  	_ =	shalt  }
0x42: {  	_ =	shalt  }
0x43: {  	_ =	shalt  }
0x44: {  	_ =	shalt  }
0x45: {  	_ =	shalt  }
0x46: {  	_ =	shalt  }
0x47: {  	_ =	shalt  }
0x48: {  	_ =	shalt  }
0x49: {  	_ =	shalt  }
0x4a: {  	_ =	shalt  }
0x4b: {  	_ =	shalt  }
0x4c: {  	_ =	shalt  }
0x4d: {  	_ =	shalt  }
0x4e: {  	_ =	shalt  }
0x4f: {  	_ =	shalt  }
0x50: {  	_ =	shalt  }
0x51: {  	_ =	shalt  }
0x52: {  	_ =	shalt  }
0x53: {  	_ =	shalt  }
0x54: {  	_ =	shalt  }
0x55: {  	_ =	shalt  }
0x56: {  	_ =	shalt  }
0x57: {  	_ =	shalt  }
0x58: {  	_ =	shalt  }
0x59: {  	_ =	shalt  }
0x5a: {  	_ =	shalt  }
0x5b: {  	_ =	shalt  }
0x5c: {  	_ =	shalt  }
0x5d: {  	_ =	shalt  }
0x5e: {  	_ =	shalt  }
0x5f: {  	_ =	shalt  }
0x60: {  	_ =	shalt  }
0x61: {  	_ =	shalt  }
0x62: {  	_ =	shalt  }
0x63: {  	_ =	shalt  }
0x64: {  	_ =	shalt  }
0x65: {  	_ =	shalt  }
0x66: {  	_ =	shalt  }
0x67: {  	_ =	shalt  }
0x68: {  	_ =	shalt  }
0x69: {  	_ =	shalt  }
0x6a: {  	_ =	shalt  }
0x6b: {  	_ =	shalt  }
0x6c: {  	_ =	shalt  }
0x6d: {  	_ =	shalt  }
0x6e: {  	_ =	shalt  }
0x6f: {  	_ =	shalt  }
0x70: {  	_ =	shalt  }
0x71: {  	_ =	shalt  }
0x72: {  	_ =	shalt  }
0x73: {  	_ =	shalt  }
0x74: {  	_ =	shalt  }
0x75: {  	_ =	shalt  }
0x76: {  	_ =	shalt  }
0x77: {  	_ =	shalt  }
0x78: {  	_ =	shalt  }
0x79: {  	_ =	shalt  }
0x7a: {  	_ =	shalt  }
0x7b: {  	_ =	shalt  }
0x7c: {  	_ =	shalt  }
0x7d: {  	_ =	shalt  }
0x7e: {  	_ =	shalt  }
0x7f: {  	_ =	shalt  }
0x80: {  	_ =	shalt  }
0x81: {  	_ =	shalt  }
0x82: {  	_ =	shalt  }
0x83: {  	_ =	shalt  }
0x84: {  	_ =	shalt  }
0x85: {  	_ =	shalt  }
0x86: {  	_ =	shalt  }
0x87: {  	_ =	shalt  }
.Lfunc_end0:
.L_simem_size_0:
called_computation_lowered:
.L_overlay_start_0:
0x88: {  	s2 =	sld [smem:$0x3FD9]  }
0x89: {  	s3 =	sld [smem:$0x3FFE];
	_ =	sdelay $0x1  }
0x8a: {  	s1 =	srdreg.scid  }
0x8b: {  	s0 =	sand.u32 $0x1, s1  }
0x8c: {  	s17 =	sshll.u32 s0, $0xA;
	s2 =	sadd.s32 s3, s2  }
0x8d: {  	s2 =	sadd.s32 s2, s17  }
0x8e: {  	[smem:$0x3FC0] =	sst s2  }
0x8f: {  	_ = 	snop  }
0x90: {  	s18 =	sld [smem:$0x3FD0];
	(tm) =	ssettm $0x1  }
0x91: {  	s19 =	sld [smem:$0x3FFB];
	_ =	sdelay $0x3  }
0x92: {  	_ =	strace s19  }
0x93: {  	s2 =	sld [smem:$0x3FFC];
	_ =	sdelay $0x3  }
0x94: {  	_ =	strace s2  }
0x95: {  	s2 =	sld [smem:$0x3FFD];
	_ =	sdelay $0x3  }
0x96: {  	_ =	strace s2  }
0x97: {  	_ =	strace $0x8FFFFFFF  }
0x98: {  	s20 =	sld [smem:$0x3FDB];
	_ =	sdelay $0x1  }
0x99: {  	s4 =	simm.s32 $_scs_section_size  }
0x9a: {  	s5 =	simm.s32 $_size__tile_overlayer_lowered;
	s6 =	simm.s32 $_tile_overlayer_lowered  }
0x9b: {  	s7 =	simm.s32 $0x1BFF;
	s21 =	sshll.u32 s6, $0x1;
	s4 =	sadd.s32 s4, s20  }
0x9c: {  	s22 =	simm.s32 $0x0;
	s5 =	sshll.u32 s5, $0x1;
	s6 =	sadd.s32 s21, s4  }
0x9d: {  	[timem:s22], [sflag:s7] =	dma.local [hbm:s6], s5  }
0x9e: {  	_ =	swait.ge [sflag:s7], s5  }
0x9f: {  	s5 =	ssub.s32 $0x0, s5;
	[sflag:s7] =	ssyncset.done $0x0  }
0xa0: {  	[sflag:s7] =	ssyncadd.s32 s5;
	_ =	sdelay $0x1  }
0xa1: {  	s23 =	simm.s32 $0x1B8B  }
0xa2: {  	_ =	swait.ge [sflag:s23], $0x1  }
0xa3: {  	[sflag:s23] =	ssyncset.done $0x0  }
0xa4: {  	[sflag:s23] =	ssyncadd.s32 $0xFFFFFFFF  }
0xa5: {  	s5 =	sld [smem:$0x0]  }
0xa6: {  	s6 =	sand.u32 $0xFFFFFFFE, s1  }
0xa7: {  	p0 =	sne.s32 s1, s6  }
0xa8: {  	s6 =	sshll.u32 @p0 s6, $0xE  }
0xa9: {  	s6 =	sadd.s32 @p0 $0x11B8D, s6;
	s7 =	sshll.u32 @p0 s5, $0x11  }
0xaa: {  	s6 =	sor.u32 @p0 s7, s6  }
0xab: {  	[sflag:s6] =	ssyncadd.remote.s32 @p0 $0x1;
	_ =	sdelay $0x1  }
0xac: {  	s6 =	simm.s32 @p0 $0x1B8D  }
0xad: {  	_ =	swait.eq @p0 [sflag:s6], $0x1  }
0xae: {  	[sflag:s6] =	ssyncadd.s32 @p0 $0xFFFFFFFF  }
0xaf: {  	s7 =	sshll.u32 @!p0 s1, $0xE  }
0xb0: {  	s7 =	sor.u32 @!p0 $0x4000, s7;
	s6 =	simm.s32 @!p0 $0x1B8D  }
0xb1: {  	s5 =	sshll.u32 @!p0 s5, $0x11;
	s7 =	sadd.s32 @!p0 $0x11B8D, s7;
	_ =	swait.eq @!p0 [sflag:s6], $0x1  }
0xb2: {  	s5 =	sor.u32 @!p0 s5, s7;
	[sflag:s6] =	ssyncadd.s32 @!p0 $0xFFFFFFFF  }
0xb3: {  	s25 =	simm.s32 $0x1B8E;
	s24 =	sld [smem:$0x3FFE];
	[sflag:s5] =	ssyncadd.remote.s32 @!p0 $0x1  }
0xb4: {  	s26 =	simm.s32 $execute0_lowered;
	[smem:$0x3FD2] =	sst s25  }
0xb5: {  	s6 =	sshll.u32 s26, $0x1;
	_ =	strace $0x80000049;
	[dreg:$0x1] =	wrdreg $0xFFFFFFFF  }
0xb6: {  	s28 =	simm.s32 $_size_execute0_lowered;
	s4 =	sadd.s32 s4, s6;
	[dreg:$0x0] =	wrdreg $0x0  }
0xb7: {  	s6 =	sshll.u32 s28, $0x1;
	[dreg:$0x2] =	wrdreg s4  }
0xb8: {  	[dreg:$0x3] =	wrdreg s6  }
0xb9: {  	[dreg:$0x4] =	wrdreg $0xC0  }
0xba: {  	_ =	task [dreg:s22], $0x5FFFF  }
0xbb: {  	[dreg:$0x1] =	wrdreg $0xFFFFFFFF  }
0xbc: {  	[dreg:$0x0] =	wrdreg $0x60  }
0xbd: {  	[dreg:$0x2] =	wrdreg s24  }
0xbe: {  	[dreg:$0x3] =	wrdreg s18  }
0xbf: {  	[dreg:$0x4] =	wrdreg $0x9  }
0xc0: {  	_ =	task.clear_ibuf [dreg:s22], $0x5FFFF;
	_ =	strace $0x90000049  }
0xc1: {  	s29 =	simm.s32 $0x9;
	_ =	strace $0x8000004B  }
0xc2: {  	_ =	swait.ge [sflag:s29], $0x1  }
0xc3: {  	[sflag:s29] =	ssyncadd.s32 $0xFFFFFFFF  }
0xc4: {  	_ =	strace $0x9000004B  }
0xc5: {  	_ =	sfence  }
0xc6: {  	s30 =	sld [smem:$0x0];
	_ =	sdelay $0x2  }
0xc7: {  	s31 =	sshll.u32 s1, $0xD;
	s1 =	sshrl.u32 s1, $0x2  }
0xc8: {  	s4 =	sand.u32 $0x4000, s31;
	s1 =	sadd.s32 s1, s30  }
0xc9: {  	s0 =	sor.u32 s4, s0;
	s1 =	sshll.u32 s1, $0x11  }
0xca: {  	s0 =	sor.u32 s1, s0  }
0xcb: {  	s0 =	sadd.s32 $0x8F2B, s0  }
0xcc: {  	[sflag:s0] =	ssyncadd.remote.s32 $0x1  }
0xcd: {  	_ =	sfence.sel $0xFFFF  }
0xce: {  	[dreg:$0x0] =	wrdreg $0xFFFFFFFF;
	(pc) =	sbr.abs _section_cstart, $3  }
0xcf: {  	[dreg:$0x1] =	wrdreg $0xFFFFFFFF  }
0xd0: {  	_ =	task.clear_ibuf [dreg:s22], $0x2FFFF;
	_ =	strace $0x9FFFFFFF  }
0xd1: {  	(tm) =	ssettm $0x7FFFFFFF  }
tec
execute0_lowered:
.L_overlay_start_1:
0x0: {  	(tag) =	ssettag $0x1  }
0x1: {  	s4 =	rddreg [dreg:$0x0]  }
0x2: {  	s0 =	stileid.u32;
	s1 =	srdreg.scid  }
0x3: {  	s6 =	rddreg [dreg:$0x1];
	s5 =	smul.u32 $0xCA800, s0  }
0x4: {  	s2 =	simm.s32 $0x0;
	s3 =	sand.u32 $0x1, s1;
	s8 =	smul.u32 $0xCA80, s0  }
0x5: {  	s11 =	simm.s32 $0x0;
	s1 =	rddreg [dreg:$0x2];
	s7 =	smul.u32 $0x65400, s3  }
0x6: {  	[smem:$0x7FF] =	sst s2;
	s9 =	ssub.s32 $0x2, s3;
	s10 =	smul.u32 $0x6540, s3  }
0x7: {  	s3 =	sadd.s32 $0x264C00, s4;
	s4 =	sadd.s32 s5, s4;
	s30 =	sshrl.u32 s9, $0x1  }
0x8: {  	_ =	strace $0x8000004A;
	s5 =	ssub.s32 s9, s30;
	s7 =	sadd.s32 s7, s4  }
0x9: {  	s8 =	sadd.s32 s10, s8;
	s9 =	simm.s32 $0x400;
	s10 =	simm.s32 $0x1  }
0xa: {  	s4 =	smax.u32 s5, $0x1;
	s5 =	sadd.s32 $0xFD0200, s7;
	s31 =	sshrl.u32 s8, $0x3  }
0xb: {  	s7 =	simm.s32 $0x2;
	s8 =	simm.s32 $0x3C0;
	s6 =	sadd.s32 s31, s6  }
.LBB2_1:
0xc: {  	s12 =	sadd.s32 $0x0, s6  }
0xd: {  	[tilespmem:s2], [sflag:$0x2] =	stream.linear.gather [hbm4b:s12+s2], $0x3C0, $0x38;
	[tilespmem:$0x1E400] =	vst v63  }
0xe: {  	_ =	swait.ge [sflag:s7], $0x3C0  }
0xf: {  	[sflag:s7] =	ssyncset.done $0x0  }
0x10: {  	[sflag:s7] =	ssyncadd.s32 $0xFFFFFC40  }
0x11: {  	[tilespmem:s9], [sflag:$0x1] =	stream.indirect.gather [hbm4b:s3+s8], $0x80, s2, s8, $0xb8;
	[tilespmem:$0x1E400] =	vst v63  }
0x12: {  	_ =	swait.ge [sflag:s10], $0x1E000  }
0x13: {  	[sflag:s10] =	ssyncset.done $0x0  }
0x14: {  	[sflag:s10] =	ssyncadd.s32 $0xFFFE2000  }
0x15: {  	[hbm4b:s5+s2] =	stream.linear.scatter [tilespmem:s9], [sflag:$0x2], $0x1E000, $0x38;
	[tilespmem:$0x1E400] =	vst v63  }
0x16: {  	s13 =	simm.s32 $0x78;
	_ =	swait.ge [sflag:s7], $0x1E000  }
0x17: {  	s14 =	simm.s32 $0xF0;
	s12 =	sadd.s32 $0x3C00, s5;
	[sflag:s7] =	ssyncset.done $0x0  }
.LBB2_2:
0x18: {  	s15 =	sadd.s32 s13, s6  }
0x19: {  	[sflag:s7] =	ssyncadd.s32 $0xFFFE2000;
	s13 =	smov.u32 s14;
	s16 =	sadd.s32 $0x78, s14  }
0x1a: {  	[tilespmem:s2], [sflag:$0x2] =	stream.linear.gather [hbm4b:s15+s2], $0x3C0, $0x38;
	[tilespmem:$0x1E400] =	vst v63  }
0x1b: {  	p0 =	sne.s32 s14, $0xC30;
	_ =	swait.ge [sflag:s7], $0x3C0  }
0x1c: {  	[sflag:s7] =	ssyncset.done $0x0  }
0x1d: {  	[sflag:s7] =	ssyncadd.s32 $0xFFFFFC40  }
0x1e: {  	[tilespmem:s9], [sflag:$0x1] =	stream.indirect.gather [hbm4b:s3+s8], $0x80, s2, s8, $0xb8;
	[tilespmem:$0x1E400] =	vst v63  }
0x1f: {  	_ =	swait.ge [sflag:s10], $0x1E000  }
.Ltmp0:
0x20: {  	[sflag:s10] =	ssyncset.done $0x0;
	(pc) =	sbr.rel @p0 .LBB2_2-.Ltmp0, $4  }
0x21: {  	[sflag:s10] =	ssyncadd.s32 $0xFFFE2000  }
0x22: {  	[hbm4b:s12+s2] =	stream.linear.scatter [tilespmem:s9], [sflag:$0x2], $0x1E000, $0x38;
	[tilespmem:$0x1E400] =	vst v63  }
0x23: {  	_ =	swait.ge [sflag:s7], $0x1E000  }
0x24: {  	s14 =	smov.u32 s16;
	s12 =	sadd.s32 $0x3C00, s12;
	[sflag:s7] =	ssyncset.done $0x0  }
0x25: {  	s13 =	sadd.s32 s13, s6;
	[sflag:s7] =	ssyncadd.s32 $0xFFFE2000  }
0x26: {  	[tilespmem:s2], [sflag:$0x2] =	stream.linear.gather [hbm4b:s13+s2], $0x3C0, $0x38;
	[tilespmem:$0x1E400] =	vst v63  }
0x27: {  	_ =	swait.ge [sflag:s7], $0x3C0  }
0x28: {  	[sflag:s7] =	ssyncset.done $0x0  }
0x29: {  	[sflag:s7] =	ssyncadd.s32 $0xFFFFFC40  }
0x2a: {  	[tilespmem:s9], [sflag:$0x1] =	stream.indirect.gather [hbm4b:s3+s8], $0x80, s2, s8, $0xb8;
	[tilespmem:$0x1E400] =	vst v63  }
0x2b: {  	s11 =	sadd.s32 $0x1, s11;
	_ =	swait.ge [sflag:s10], $0x1E000  }
0x2c: {  	p0 =	sne.s32 s11, s4;
	[sflag:s10] =	ssyncset.done $0x0  }
.Ltmp1:
0x2d: {  	[sflag:s10] =	ssyncadd.s32 $0xFFFE2000;
	(pc) =	sbr.rel @p0 .LBB2_1-.Ltmp1, $4  }
0x2e: {  	[hbm4b:s12+s2] =	stream.linear.scatter [tilespmem:s9], [sflag:$0x2], $0x1E000, $0x38;
	[tilespmem:$0x1E400] =	vst v63  }
0x2f: {  	_ =	swait.ge [sflag:s7], $0x1E000  }
0x30: {  	[sflag:s7] =	ssyncset.done $0x0  }
0x31: {  	[sflag:s7] =	ssyncadd.s32 $0xFFFE2000  }
0x32: {  	_ =	sfence.sel $0x180000  }
0x33: {  	[bflag:$0x0] =	sbarrier.arrive $0xFFFF  }
0x34: {  	p0 =	sne.s32 s0, $0x0;
	_ =	strace $0x9000004A  }
0x35: {  	s0 =	sadd.s32 @!p0 $0x100000, s1;
	[bflag:$0x2] =	sbarrier.arrive $0xFFFF  }
0x36: {  	[sflag:s0] =	ssyncadd.tile.s32 @!p0 $0x1;
	_ =	shalt  }
.Lfunc_end2:
_tile_overlayer_lowered:
.L_overlay_start_2:
0x37: {  	(tag) =	ssettag $0x2  }
0x38: {  	s0 =	rddreg [dreg:$0x0];
	s2 =	stileid.u32  }
0x39: {  	s1 =	rddreg [dreg:$0x1];
	p0 =	sne.s32 s2, $0x0  }
0x3a: {  	s3 =	rddreg [dreg:$0x2];
	[bflag:$0x3] =	sbarrier.arrive $0xFFFF;
	s2 =	simm.s32 @!p0 $0x1C02  }
0x3b: {  	[timem:s3], [sflag:s2] =	dma.local @!p0 [hbm:s0], s1  }
0x3c: {  	s0 =	simm.s32 @!p0 $0x2  }
0x3d: {  	_ =	swait.ge @!p0 [sflag:s0], s1  }
0x3e: {  	s1 =	ssub.s32 @!p0 $0x0, s1;
	[sflag:s0] =	ssyncset.done @!p0 $0x0  }
0x3f: {  	[sflag:s0] =	ssyncadd.s32 @!p0 s1  }
0x40: {  	[bflag:$0x3] =	sbarrier.arrive $0xFFFF  }
0x41: {  	_ =	shalt  }

</sc_bundles>
